<compile_context>
chip_gen: v7x
topology: tpu7x:2x2x1
jax: 0.10.2.dev20260603
libtpu: 0.0.44.dev20260713+nightly
codegen_flags: <defaults>
</compile_context>

<pallas_src>
import functools

import jax
import jax.numpy as jnp
from jax import lax
from jax.experimental import pallas as pl
from jax.experimental.pallas import tpu as pltpu
from jax.experimental.pallas import tpu_sc as plsc

_W = 40
_NBUF = 4


def _sc_gather(table, idx_flat):
    B = idx_flat.shape[0]
    D = table.shape[1]
    info = plsc.get_sparse_core_info()
    nw = info.num_cores * info.num_subcores
    b_per_w = B // nw
    nchunks = b_per_w // _W
    assert b_per_w % _W == 0 and nchunks % _NBUF == 0
    mesh = plsc.VectorSubcoreMesh(core_axis_name="c", subcore_axis_name="s")

    @functools.partial(
        pl.kernel,
        out_type=jax.ShapeDtypeStruct((B, D), table.dtype),
        mesh=mesh,
        scratch_types=[pltpu.VMEM((b_per_w,), jnp.int32)]
        + [pltpu.VMEM((_W, D), jnp.float32)] * _NBUF
        + [pltpu.SemaphoreType.DMA] * (2 * _NBUF),
    )
    def k(table_hbm, idx_hbm, out_hbm, idx_v, *bufs_sems):
        bufs = bufs_sems[:_NBUF]
        gsems = bufs_sems[_NBUF : 2 * _NBUF]
        wsems = bufs_sems[2 * _NBUF :]
        wid = lax.axis_index("s") * info.num_cores + lax.axis_index("c")
        base = wid * b_per_w
        pltpu.sync_copy(idx_hbm.at[pl.ds(base, b_per_w)], idx_v)

        def start_gather(c, b):
            pltpu.async_copy(
                table_hbm.at[idx_v.at[pl.ds(c * _W, _W)]], bufs[b], gsems[b]
            )

        def wait_gather(b):
            pltpu.make_async_copy(
                table_hbm.at[idx_v.at[pl.ds(0, _W)]], bufs[b], gsems[b]
            ).wait()

        def start_write(c, b):
            pltpu.async_copy(bufs[b], out_hbm.at[pl.ds(base + c * _W, _W)], wsems[b])

        def wait_write(b):
            pltpu.make_async_copy(
                bufs[b], out_hbm.at[pl.ds(base, _W)], wsems[b]
            ).wait()

        for b in range(_NBUF):
            start_gather(b, b)
        for b in range(_NBUF):
            wait_gather(b)
            start_write(b, b)

        @pl.loop(_NBUF, nchunks, step=_NBUF)
        def _(c):
            for b in range(_NBUF):
                wait_write(b)
                start_gather(c + b, b)
            for b in range(_NBUF):
                wait_gather(b)
                start_write(c + b, b)

        for b in range(_NBUF):
            wait_write(b)

    return k(table, idx_flat)


def kernel(input_ids, word_embeddings):
    s0, s1 = input_ids.shape
    idx_flat = input_ids.reshape(-1).astype(jnp.int32)
    out = _sc_gather(word_embeddings, idx_flat)
    return out.reshape(s0, s1, word_embeddings.shape[1])

# --- scband reference (transcript-rebuilt; emitter-appended) ---
"""Pipeline reference for scband-distil-bert-embeddings-58274116272768 (READ-ONLY COPY).

The authoritative reference and input builder live on the scoring server;
editing this copy changes nothing except your own understanding.
"""

import jax, jax.numpy as jnp
import numpy as np

VOCAB = 30522
DIM = 768

def setup_inputs(seed: int = 0) -> dict:
    key = jax.random.key(seed)
    k_ids, k_tab = jax.random.split(key)
    input_ids = jax.random.randint(k_ids, (1024, 200), 0, VOCAB, dtype=jnp.int64 if jax.config.jax_enable_x64 else jnp.int32)
    word_embeddings = jax.random.normal(k_tab, (VOCAB, DIM), dtype=jnp.float32) * 0.02
    return {"input_ids": input_ids, "word_embeddings": word_embeddings}

def reference(input_ids, word_embeddings):
    # DistilBertEmbeddings.forward: pure word-embedding lookup (no position/LayerNorm in this forward)
    return jnp.take(word_embeddings, input_ids, axis=0)

if __name__ == "__main__":
    import jax
    _d = setup_inputs()
    print(jax.jit(kernel)(*tuple(_d.values())))

</pallas_src>

<mosaic_0001>
#map = affine_map<(d0, d1) -> (0, 0)>
#map1 = affine_map<(d0, d1) -> (0)>
module attributes {stable_mosaic.version = 14 : i64} {
  func.func @k(%arg0: i32, %arg1: i32, %arg2: memref<30522x768xf32, #tpu.memory_space<hbm>>, %arg3: memref<204800xi32, #tpu.memory_space<hbm>>, %arg4: memref<204800x768xf32, #tpu.memory_space<hbm>>, %arg5: memref<6400xi32, #tpu.memory_space<vmem>>, %arg6: memref<40x768xf32, #tpu.memory_space<vmem>>, %arg7: memref<40x768xf32, #tpu.memory_space<vmem>>, %arg8: memref<40x768xf32, #tpu.memory_space<vmem>>, %arg9: memref<40x768xf32, #tpu.memory_space<vmem>>, %arg10: memref<!tpu.dma_semaphore, #tpu.memory_space<semaphore_mem>>, %arg11: memref<!tpu.dma_semaphore, #tpu.memory_space<semaphore_mem>>, %arg12: memref<!tpu.dma_semaphore, #tpu.memory_space<semaphore_mem>>, %arg13: memref<!tpu.dma_semaphore, #tpu.memory_space<semaphore_mem>>, %arg14: memref<!tpu.dma_semaphore, #tpu.memory_space<semaphore_mem>>, %arg15: memref<!tpu.dma_semaphore, #tpu.memory_space<semaphore_mem>>, %arg16: memref<!tpu.dma_semaphore, #tpu.memory_space<semaphore_mem>>, %arg17: memref<!tpu.dma_semaphore, #tpu.memory_space<semaphore_mem>>) attributes {dimension_semantics = [#tpu.dimension_semantics<core_parallel>, #tpu.dimension_semantics<subcore_parallel>], iteration_bounds = array<i64: 2, 16>, scalar_prefetch = 0 : i64, scratch_operands = 13 : i64, tpu.core_type = #tpu.core_type<sc_vector_subcore>, window_params = [{transform_indices = #map}, {transform_indices = #map1}, {transform_indices = #map}]} {
    %mul3A = arith.constant 2 : i32
    %mul3A_0 = arith.muli %arg1, %mul3A : i32
    %add3A = arith.addi %mul3A_0, %arg0 : i32
    %mul3A_1 = arith.constant 6400 : i32
    %mul3A_2 = arith.muli %add3A, %mul3A_1 : i32
    "tpu.region"() ({
      %run_scoped3A = tpu.sem_alloc : memref<!tpu.dma_semaphore, #tpu.memory_space<semaphore_mem>>
      %dma_start3A_85 = tpu.memref_slice %arg3[%mul3A_2] : memref<204800xi32, #tpu.memory_space<hbm>> -> memref<6400xi32, #tpu.memory_space<hbm>>
      %dma_start3A_86 = tpu.memref_slice %arg3[%mul3A_2] : memref<204800xi32, #tpu.memory_space<hbm>> -> memref<6400xi32, #tpu.memory_space<hbm>>
      tpu.enqueue_dma source(%dma_start3A_86 : memref<6400xi32, #tpu.memory_space<hbm>>) target(%arg5 : memref<6400xi32, #tpu.memory_space<vmem>>) target_semaphore(%run_scoped3A : memref<!tpu.dma_semaphore, #tpu.memory_space<semaphore_mem>>)
      %dma_wait3A_87 = tpu.memref_slice %arg3[%mul3A_2] : memref<204800xi32, #tpu.memory_space<hbm>> -> memref<6400xi32, #tpu.memory_space<hbm>>
      %dma_wait3A_88 = tpu.memref_slice %arg3[%mul3A_2] : memref<204800xi32, #tpu.memory_space<hbm>> -> memref<6400xi32, #tpu.memory_space<hbm>>
      tpu.wait_dma2 semaphore(%run_scoped3A : memref<!tpu.dma_semaphore, #tpu.memory_space<semaphore_mem>>) src(%dma_wait3A_88 : memref<6400xi32, #tpu.memory_space<hbm>>) dst(%arg5 : memref<6400xi32, #tpu.memory_space<vmem>>)
      tpu.yield
    }) : () -> ()
    %dma_start3A = arith.constant 0 : i32
    %dma_start3A_3 = tpu.memref_slice %arg5[%dma_start3A] : memref<6400xi32, #tpu.memory_space<vmem>> -> memref<40xi32, #tpu.memory_space<vmem>>
    %dma_start3A_4 = arith.constant 0 : i32
    %dma_start3A_5 = arith.constant 0 : i32
    %dma_start3A_6 = tpu.memref_slice %arg2[%dma_start3A_4, %dma_start3A_5] : memref<30522x768xf32, #tpu.memory_space<hbm>> -> memref<30522x768xf32, #tpu.memory_space<hbm>>
    tpu.enqueue_indirect_dma source(%dma_start3A_6 : memref<30522x768xf32, #tpu.memory_space<hbm>>) target(%arg6 : memref<40x768xf32, #tpu.memory_space<vmem>>) offsets(%dma_start3A_3 : memref<40xi32, #tpu.memory_space<vmem>>) semaphore(%arg10 : memref<!tpu.dma_semaphore, #tpu.memory_space<semaphore_mem>>)
    %dma_start3A_7 = arith.constant 40 : i32
    %dma_start3A_8 = tpu.memref_slice %arg5[%dma_start3A_7] : memref<6400xi32, #tpu.memory_space<vmem>> -> memref<40xi32, #tpu.memory_space<vmem>>
    %dma_start3A_9 = arith.constant 0 : i32
    %dma_start3A_10 = arith.constant 0 : i32
    %dma_start3A_11 = tpu.memref_slice %arg2[%dma_start3A_9, %dma_start3A_10] : memref<30522x768xf32, #tpu.memory_space<hbm>> -> memref<30522x768xf32, #tpu.memory_space<hbm>>
    tpu.enqueue_indirect_dma source(%dma_start3A_11 : memref<30522x768xf32, #tpu.memory_space<hbm>>) target(%arg7 : memref<40x768xf32, #tpu.memory_space<vmem>>) offsets(%dma_start3A_8 : memref<40xi32, #tpu.memory_space<vmem>>) semaphore(%arg11 : memref<!tpu.dma_semaphore, #tpu.memory_space<semaphore_mem>>)
    %dma_start3A_12 = arith.constant 80 : i32
    %dma_start3A_13 = tpu.memref_slice %arg5[%dma_start3A_12] : memref<6400xi32, #tpu.memory_space<vmem>> -> memref<40xi32, #tpu.memory_space<vmem>>
    %dma_start3A_14 = arith.constant 0 : i32
    %dma_start3A_15 = arith.constant 0 : i32
    %dma_start3A_16 = tpu.memref_slice %arg2[%dma_start3A_14, %dma_start3A_15] : memref<30522x768xf32, #tpu.memory_space<hbm>> -> memref<30522x768xf32, #tpu.memory_space<hbm>>
    tpu.enqueue_indirect_dma source(%dma_start3A_16 : memref<30522x768xf32, #tpu.memory_space<hbm>>) target(%arg8 : memref<40x768xf32, #tpu.memory_space<vmem>>) offsets(%dma_start3A_13 : memref<40xi32, #tpu.memory_space<vmem>>) semaphore(%arg12 : memref<!tpu.dma_semaphore, #tpu.memory_space<semaphore_mem>>)
    %dma_start3A_17 = arith.constant 120 : i32
    %dma_start3A_18 = tpu.memref_slice %arg5[%dma_start3A_17] : memref<6400xi32, #tpu.memory_space<vmem>> -> memref<40xi32, #tpu.memory_space<vmem>>
    %dma_start3A_19 = arith.constant 0 : i32
    %dma_start3A_20 = arith.constant 0 : i32
    %dma_start3A_21 = tpu.memref_slice %arg2[%dma_start3A_19, %dma_start3A_20] : memref<30522x768xf32, #tpu.memory_space<hbm>> -> memref<30522x768xf32, #tpu.memory_space<hbm>>
    tpu.enqueue_indirect_dma source(%dma_start3A_21 : memref<30522x768xf32, #tpu.memory_space<hbm>>) target(%arg9 : memref<40x768xf32, #tpu.memory_space<vmem>>) offsets(%dma_start3A_18 : memref<40xi32, #tpu.memory_space<vmem>>) semaphore(%arg13 : memref<!tpu.dma_semaphore, #tpu.memory_space<semaphore_mem>>)
    %dma_wait3A = arith.constant 0 : i32
    %dma_wait3A_22 = tpu.memref_slice %arg5[%dma_wait3A] : memref<6400xi32, #tpu.memory_space<vmem>> -> memref<40xi32, #tpu.memory_space<vmem>>
    %dma_wait3A_23 = arith.constant 0 : i32
    %dma_wait3A_24 = arith.constant 0 : i32
    %dma_wait3A_25 = tpu.memref_slice %arg2[%dma_wait3A_23, %dma_wait3A_24] : memref<30522x768xf32, #tpu.memory_space<hbm>> -> memref<30522x768xf32, #tpu.memory_space<hbm>>
    tpu.wait_indirect_dma semaphore(%arg10 : memref<!tpu.dma_semaphore, #tpu.memory_space<semaphore_mem>>) src(%dma_wait3A_25 : memref<30522x768xf32, #tpu.memory_space<hbm>>) dst(%arg6 : memref<40x768xf32, #tpu.memory_space<vmem>>)
    %add3A_26 = arith.constant 0 : i32
    %add3A_27 = arith.addi %mul3A_2, %add3A_26 : i32
    %dma_start3A_28 = arith.constant 0 : i32
    %dma_start3A_29 = tpu.memref_slice %arg4[%add3A_27, %dma_start3A_28] : memref<204800x768xf32, #tpu.memory_space<hbm>> -> memref<40x768xf32, #tpu.memory_space<hbm>>
    %dma_start3A_30 = arith.constant 0 : i32
    %dma_start3A_31 = tpu.memref_slice %arg4[%add3A_27, %dma_start3A_30] : memref<204800x768xf32, #tpu.memory_space<hbm>> -> memref<40x768xf32, #tpu.memory_space<hbm>>
    tpu.enqueue_dma source(%arg6 : memref<40x768xf32, #tpu.memory_space<vmem>>) target(%dma_start3A_31 : memref<40x768xf32, #tpu.memory_space<hbm>>) target_semaphore(%arg14 : memref<!tpu.dma_semaphore, #tpu.memory_space<semaphore_mem>>)
    %dma_wait3A_32 = arith.constant 0 : i32
    %dma_wait3A_33 = tpu.memref_slice %arg5[%dma_wait3A_32] : memref<6400xi32, #tpu.memory_space<vmem>> -> memref<40xi32, #tpu.memory_space<vmem>>
    %dma_wait3A_34 = arith.constant 0 : i32
    %dma_wait3A_35 = arith.constant 0 : i32
    %dma_wait3A_36 = tpu.memref_slice %arg2[%dma_wait3A_34, %dma_wait3A_35] : memref<30522x768xf32, #tpu.memory_space<hbm>> -> memref<30522x768xf32, #tpu.memory_space<hbm>>
    tpu.wait_indirect_dma semaphore(%arg11 : memref<!tpu.dma_semaphore, #tpu.memory_space<semaphore_mem>>) src(%dma_wait3A_36 : memref<30522x768xf32, #tpu.memory_space<hbm>>) dst(%arg7 : memref<40x768xf32, #tpu.memory_space<vmem>>)
    %add3A_37 = arith.constant 40 : i32
    %add3A_38 = arith.addi %mul3A_2, %add3A_37 : i32
    %dma_start3A_39 = arith.constant 0 : i32
    %dma_start3A_40 = tpu.memref_slice %arg4[%add3A_38, %dma_start3A_39] : memref<204800x768xf32, #tpu.memory_space<hbm>> -> memref<40x768xf32, #tpu.memory_space<hbm>>
    %dma_start3A_41 = arith.constant 0 : i32
    %dma_start3A_42 = tpu.memref_slice %arg4[%add3A_38, %dma_start3A_41] : memref<204800x768xf32, #tpu.memory_space<hbm>> -> memref<40x768xf32, #tpu.memory_space<hbm>>
    tpu.enqueue_dma source(%arg7 : memref<40x768xf32, #tpu.memory_space<vmem>>) target(%dma_start3A_42 : memref<40x768xf32, #tpu.memory_space<hbm>>) target_semaphore(%arg15 : memref<!tpu.dma_semaphore, #tpu.memory_space<semaphore_mem>>)
    %dma_wait3A_43 = arith.constant 0 : i32
    %dma_wait3A_44 = tpu.memref_slice %arg5[%dma_wait3A_43] : memref<6400xi32, #tpu.memory_space<vmem>> -> memref<40xi32, #tpu.memory_space<vmem>>
    %dma_wait3A_45 = arith.constant 0 : i32
    %dma_wait3A_46 = arith.constant 0 : i32
    %dma_wait3A_47 = tpu.memref_slice %arg2[%dma_wait3A_45, %dma_wait3A_46] : memref<30522x768xf32, #tpu.memory_space<hbm>> -> memref<30522x768xf32, #tpu.memory_space<hbm>>
    tpu.wait_indirect_dma semaphore(%arg12 : memref<!tpu.dma_semaphore, #tpu.memory_space<semaphore_mem>>) src(%dma_wait3A_47 : memref<30522x768xf32, #tpu.memory_space<hbm>>) dst(%arg8 : memref<40x768xf32, #tpu.memory_space<vmem>>)
    %add3A_48 = arith.constant 80 : i32
    %add3A_49 = arith.addi %mul3A_2, %add3A_48 : i32
    %dma_start3A_50 = arith.constant 0 : i32
    %dma_start3A_51 = tpu.memref_slice %arg4[%add3A_49, %dma_start3A_50] : memref<204800x768xf32, #tpu.memory_space<hbm>> -> memref<40x768xf32, #tpu.memory_space<hbm>>
    %dma_start3A_52 = arith.constant 0 : i32
    %dma_start3A_53 = tpu.memref_slice %arg4[%add3A_49, %dma_start3A_52] : memref<204800x768xf32, #tpu.memory_space<hbm>> -> memref<40x768xf32, #tpu.memory_space<hbm>>
    tpu.enqueue_dma source(%arg8 : memref<40x768xf32, #tpu.memory_space<vmem>>) target(%dma_start3A_53 : memref<40x768xf32, #tpu.memory_space<hbm>>) target_semaphore(%arg16 : memref<!tpu.dma_semaphore, #tpu.memory_space<semaphore_mem>>)
    %dma_wait3A_54 = arith.constant 0 : i32
    %dma_wait3A_55 = tpu.memref_slice %arg5[%dma_wait3A_54] : memref<6400xi32, #tpu.memory_space<vmem>> -> memref<40xi32, #tpu.memory_space<vmem>>
    %dma_wait3A_56 = arith.constant 0 : i32
    %dma_wait3A_57 = arith.constant 0 : i32
    %dma_wait3A_58 = tpu.memref_slice %arg2[%dma_wait3A_56, %dma_wait3A_57] : memref<30522x768xf32, #tpu.memory_space<hbm>> -> memref<30522x768xf32, #tpu.memory_space<hbm>>
    tpu.wait_indirect_dma semaphore(%arg13 : memref<!tpu.dma_semaphore, #tpu.memory_space<semaphore_mem>>) src(%dma_wait3A_58 : memref<30522x768xf32, #tpu.memory_space<hbm>>) dst(%arg9 : memref<40x768xf32, #tpu.memory_space<vmem>>)
    %add3A_59 = arith.constant 120 : i32
    %add3A_60 = arith.addi %mul3A_2, %add3A_59 : i32
    %dma_start3A_61 = arith.constant 0 : i32
    %dma_start3A_62 = tpu.memref_slice %arg4[%add3A_60, %dma_start3A_61] : memref<204800x768xf32, #tpu.memory_space<hbm>> -> memref<40x768xf32, #tpu.memory_space<hbm>>
    %dma_start3A_63 = arith.constant 0 : i32
    %dma_start3A_64 = tpu.memref_slice %arg4[%add3A_60, %dma_start3A_63] : memref<204800x768xf32, #tpu.memory_space<hbm>> -> memref<40x768xf32, #tpu.memory_space<hbm>>
    tpu.enqueue_dma source(%arg9 : memref<40x768xf32, #tpu.memory_space<vmem>>) target(%dma_start3A_64 : memref<40x768xf32, #tpu.memory_space<hbm>>) target_semaphore(%arg17 : memref<!tpu.dma_semaphore, #tpu.memory_space<semaphore_mem>>)
    %scan3A = arith.constant 0 : i32
    %scan3A_65 = arith.constant 39 : i32
    %scan3A_66 = arith.addi %scan3A, %scan3A_65 : i32
    %scan3A_67 = arith.constant 1 : i32
    scf.for %scan3A_85 = %scan3A to %scan3A_66 step %scan3A_67  : i32 {
      %mul3A_86 = arith.constant 4 : i32
      %mul3A_87 = arith.muli %scan3A_85, %mul3A_86 : i32
      %add3A_88 = arith.constant 4 : i32
      %add3A_89 = arith.addi %add3A_88, %mul3A_87 : i32
      %dma_wait3A_90 = arith.constant 0 : i32
      %dma_wait3A_91 = tpu.memref_slice %arg4[%mul3A_2, %dma_wait3A_90] : memref<204800x768xf32, #tpu.memory_space<hbm>> -> memref<40x768xf32, #tpu.memory_space<hbm>>
      %dma_wait3A_92 = arith.constant 0 : i32
      %dma_wait3A_93 = tpu.memref_slice %arg4[%mul3A_2, %dma_wait3A_92] : memref<204800x768xf32, #tpu.memory_space<hbm>> -> memref<40x768xf32, #tpu.memory_space<hbm>>
      tpu.wait_dma2 semaphore(%arg14 : memref<!tpu.dma_semaphore, #tpu.memory_space<semaphore_mem>>) src(%arg6 : memref<40x768xf32, #tpu.memory_space<vmem>>) dst(%dma_wait3A_93 : memref<40x768xf32, #tpu.memory_space<hbm>>)
      %add3A_94 = arith.constant 0 : i32
      %add3A_95 = arith.addi %add3A_89, %add3A_94 : i32
      %mul3A_96 = arith.constant 40 : i32
      %mul3A_97 = arith.muli %add3A_95, %mul3A_96 : i32
      %dma_start3A_98 = tpu.memref_slice %arg5[%mul3A_97] : memref<6400xi32, #tpu.memory_space<vmem>> -> memref<40xi32, #tpu.memory_space<vmem>>
      %dma_start3A_99 = arith.constant 0 : i32
      %dma_start3A_100 = arith.constant 0 : i32
      %dma_start3A_101 = tpu.memref_slice %arg2[%dma_start3A_99, %dma_start3A_100] : memref<30522x768xf32, #tpu.memory_space<hbm>> -> memref<30522x768xf32, #tpu.memory_space<hbm>>
      tpu.enqueue_indirect_dma source(%dma_start3A_101 : memref<30522x768xf32, #tpu.memory_space<hbm>>) target(%arg6 : memref<40x768xf32, #tpu.memory_space<vmem>>) offsets(%dma_start3A_98 : memref<40xi32, #tpu.memory_space<vmem>>) semaphore(%arg10 : memref<!tpu.dma_semaphore, #tpu.memory_space<semaphore_mem>>)
      %dma_wait3A_102 = arith.constant 0 : i32
      %dma_wait3A_103 = tpu.memref_slice %arg4[%mul3A_2, %dma_wait3A_102] : memref<204800x768xf32, #tpu.memory_space<hbm>> -> memref<40x768xf32, #tpu.memory_space<hbm>>
      %dma_wait3A_104 = arith.constant 0 : i32
      %dma_wait3A_105 = tpu.memref_slice %arg4[%mul3A_2, %dma_wait3A_104] : memref<204800x768xf32, #tpu.memory_space<hbm>> -> memref<40x768xf32, #tpu.memory_space<hbm>>
      tpu.wait_dma2 semaphore(%arg15 : memref<!tpu.dma_semaphore, #tpu.memory_space<semaphore_mem>>) src(%arg7 : memref<40x768xf32, #tpu.memory_space<vmem>>) dst(%dma_wait3A_105 : memref<40x768xf32, #tpu.memory_space<hbm>>)
      %add3A_106 = arith.constant 1 : i32
      %add3A_107 = arith.addi %add3A_89, %add3A_106 : i32
      %mul3A_108 = arith.constant 40 : i32
      %mul3A_109 = arith.muli %add3A_107, %mul3A_108 : i32
      %dma_start3A_110 = tpu.memref_slice %arg5[%mul3A_109] : memref<6400xi32, #tpu.memory_space<vmem>> -> memref<40xi32, #tpu.memory_space<vmem>>
      %dma_start3A_111 = arith.constant 0 : i32
      %dma_start3A_112 = arith.constant 0 : i32
      %dma_start3A_113 = tpu.memref_slice %arg2[%dma_start3A_111, %dma_start3A_112] : memref<30522x768xf32, #tpu.memory_space<hbm>> -> memref<30522x768xf32, #tpu.memory_space<hbm>>
      tpu.enqueue_indirect_dma source(%dma_start3A_113 : memref<30522x768xf32, #tpu.memory_space<hbm>>) target(%arg7 : memref<40x768xf32, #tpu.memory_space<vmem>>) offsets(%dma_start3A_110 : memref<40xi32, #tpu.memory_space<vmem>>) semaphore(%arg11 : memref<!tpu.dma_semaphore, #tpu.memory_space<semaphore_mem>>)
      %dma_wait3A_114 = arith.constant 0 : i32
      %dma_wait3A_115 = tpu.memref_slice %arg4[%mul3A_2, %dma_wait3A_114] : memref<204800x768xf32, #tpu.memory_space<hbm>> -> memref<40x768xf32, #tpu.memory_space<hbm>>
      %dma_wait3A_116 = arith.constant 0 : i32
      %dma_wait3A_117 = tpu.memref_slice %arg4[%mul3A_2, %dma_wait3A_116] : memref<204800x768xf32, #tpu.memory_space<hbm>> -> memref<40x768xf32, #tpu.memory_space<hbm>>
      tpu.wait_dma2 semaphore(%arg16 : memref<!tpu.dma_semaphore, #tpu.memory_space<semaphore_mem>>) src(%arg8 : memref<40x768xf32, #tpu.memory_space<vmem>>) dst(%dma_wait3A_117 : memref<40x768xf32, #tpu.memory_space<hbm>>)
      %add3A_118 = arith.constant 2 : i32
      %add3A_119 = arith.addi %add3A_89, %add3A_118 : i32
      %mul3A_120 = arith.constant 40 : i32
      %mul3A_121 = arith.muli %add3A_119, %mul3A_120 : i32
      %dma_start3A_122 = tpu.memref_slice %arg5[%mul3A_121] : memref<6400xi32, #tpu.memory_space<vmem>> -> memref<40xi32, #tpu.memory_space<vmem>>
      %dma_start3A_123 = arith.constant 0 : i32
      %dma_start3A_124 = arith.constant 0 : i32
      %dma_start3A_125 = tpu.memref_slice %arg2[%dma_start3A_123, %dma_start3A_124] : memref<30522x768xf32, #tpu.memory_space<hbm>> -> memref<30522x768xf32, #tpu.memory_space<hbm>>
      tpu.enqueue_indirect_dma source(%dma_start3A_125 : memref<30522x768xf32, #tpu.memory_space<hbm>>) target(%arg8 : memref<40x768xf32, #tpu.memory_space<vmem>>) offsets(%dma_start3A_122 : memref<40xi32, #tpu.memory_space<vmem>>) semaphore(%arg12 : memref<!tpu.dma_semaphore, #tpu.memory_space<semaphore_mem>>)
      %dma_wait3A_126 = arith.constant 0 : i32
      %dma_wait3A_127 = tpu.memref_slice %arg4[%mul3A_2, %dma_wait3A_126] : memref<204800x768xf32, #tpu.memory_space<hbm>> -> memref<40x768xf32, #tpu.memory_space<hbm>>
      %dma_wait3A_128 = arith.constant 0 : i32
      %dma_wait3A_129 = tpu.memref_slice %arg4[%mul3A_2, %dma_wait3A_128] : memref<204800x768xf32, #tpu.memory_space<hbm>> -> memref<40x768xf32, #tpu.memory_space<hbm>>
      tpu.wait_dma2 semaphore(%arg17 : memref<!tpu.dma_semaphore, #tpu.memory_space<semaphore_mem>>) src(%arg9 : memref<40x768xf32, #tpu.memory_space<vmem>>) dst(%dma_wait3A_129 : memref<40x768xf32, #tpu.memory_space<hbm>>)
      %add3A_130 = arith.constant 3 : i32
      %add3A_131 = arith.addi %add3A_89, %add3A_130 : i32
      %mul3A_132 = arith.constant 40 : i32
      %mul3A_133 = arith.muli %add3A_131, %mul3A_132 : i32
      %dma_start3A_134 = tpu.memref_slice %arg5[%mul3A_133] : memref<6400xi32, #tpu.memory_space<vmem>> -> memref<40xi32, #tpu.memory_space<vmem>>
      %dma_start3A_135 = arith.constant 0 : i32
      %dma_start3A_136 = arith.constant 0 : i32
      %dma_start3A_137 = tpu.memref_slice %arg2[%dma_start3A_135, %dma_start3A_136] : memref<30522x768xf32, #tpu.memory_space<hbm>> -> memref<30522x768xf32, #tpu.memory_space<hbm>>
      tpu.enqueue_indirect_dma source(%dma_start3A_137 : memref<30522x768xf32, #tpu.memory_space<hbm>>) target(%arg9 : memref<40x768xf32, #tpu.memory_space<vmem>>) offsets(%dma_start3A_134 : memref<40xi32, #tpu.memory_space<vmem>>) semaphore(%arg13 : memref<!tpu.dma_semaphore, #tpu.memory_space<semaphore_mem>>)
      %dma_wait3A_138 = arith.constant 0 : i32
      %dma_wait3A_139 = tpu.memref_slice %arg5[%dma_wait3A_138] : memref<6400xi32, #tpu.memory_space<vmem>> -> memref<40xi32, #tpu.memory_space<vmem>>
      %dma_wait3A_140 = arith.constant 0 : i32
      %dma_wait3A_141 = arith.constant 0 : i32
      %dma_wait3A_142 = tpu.memref_slice %arg2[%dma_wait3A_140, %dma_wait3A_141] : memref<30522x768xf32, #tpu.memory_space<hbm>> -> memref<30522x768xf32, #tpu.memory_space<hbm>>
      tpu.wait_indirect_dma semaphore(%arg10 : memref<!tpu.dma_semaphore, #tpu.memory_space<semaphore_mem>>) src(%dma_wait3A_142 : memref<30522x768xf32, #tpu.memory_space<hbm>>) dst(%arg6 : memref<40x768xf32, #tpu.memory_space<vmem>>)
      %add3A_143 = arith.constant 0 : i32
      %add3A_144 = arith.addi %add3A_89, %add3A_143 : i32
      %mul3A_145 = arith.constant 40 : i32
      %mul3A_146 = arith.muli %add3A_144, %mul3A_145 : i32
      %add3A_147 = arith.addi %mul3A_2, %mul3A_146 : i32
      %dma_start3A_148 = arith.constant 0 : i32
      %dma_start3A_149 = tpu.memref_slice %arg4[%add3A_147, %dma_start3A_148] : memref<204800x768xf32, #tpu.memory_space<hbm>> -> memref<40x768xf32, #tpu.memory_space<hbm>>
      %dma_start3A_150 = arith.constant 0 : i32
      %dma_start3A_151 = tpu.memref_slice %arg4[%add3A_147, %dma_start3A_150] : memref<204800x768xf32, #tpu.memory_space<hbm>> -> memref<40x768xf32, #tpu.memory_space<hbm>>
      tpu.enqueue_dma source(%arg6 : memref<40x768xf32, #tpu.memory_space<vmem>>) target(%dma_start3A_151 : memref<40x768xf32, #tpu.memory_space<hbm>>) target_semaphore(%arg14 : memref<!tpu.dma_semaphore, #tpu.memory_space<semaphore_mem>>)
      %dma_wait3A_152 = arith.constant 0 : i32
      %dma_wait3A_153 = tpu.memref_slice %arg5[%dma_wait3A_152] : memref<6400xi32, #tpu.memory_space<vmem>> -> memref<40xi32, #tpu.memory_space<vmem>>
      %dma_wait3A_154 = arith.constant 0 : i32
      %dma_wait3A_155 = arith.constant 0 : i32
      %dma_wait3A_156 = tpu.memref_slice %arg2[%dma_wait3A_154, %dma_wait3A_155] : memref<30522x768xf32, #tpu.memory_space<hbm>> -> memref<30522x768xf32, #tpu.memory_space<hbm>>
      tpu.wait_indirect_dma semaphore(%arg11 : memref<!tpu.dma_semaphore, #tpu.memory_space<semaphore_mem>>) src(%dma_wait3A_156 : memref<30522x768xf32, #tpu.memory_space<hbm>>) dst(%arg7 : memref<40x768xf32, #tpu.memory_space<vmem>>)
      %add3A_157 = arith.constant 1 : i32
      %add3A_158 = arith.addi %add3A_89, %add3A_157 : i32
      %mul3A_159 = arith.constant 40 : i32
      %mul3A_160 = arith.muli %add3A_158, %mul3A_159 : i32
      %add3A_161 = arith.addi %mul3A_2, %mul3A_160 : i32
      %dma_start3A_162 = arith.constant 0 : i32
      %dma_start3A_163 = tpu.memref_slice %arg4[%add3A_161, %dma_start3A_162] : memref<204800x768xf32, #tpu.memory_space<hbm>> -> memref<40x768xf32, #tpu.memory_space<hbm>>
      %dma_start3A_164 = arith.constant 0 : i32
      %dma_start3A_165 = tpu.memref_slice %arg4[%add3A_161, %dma_start3A_164] : memref<204800x768xf32, #tpu.memory_space<hbm>> -> memref<40x768xf32, #tpu.memory_space<hbm>>
      tpu.enqueue_dma source(%arg7 : memref<40x768xf32, #tpu.memory_space<vmem>>) target(%dma_start3A_165 : memref<40x768xf32, #tpu.memory_space<hbm>>) target_semaphore(%arg15 : memref<!tpu.dma_semaphore, #tpu.memory_space<semaphore_mem>>)
      %dma_wait3A_166 = arith.constant 0 : i32
      %dma_wait3A_167 = tpu.memref_slice %arg5[%dma_wait3A_166] : memref<6400xi32, #tpu.memory_space<vmem>> -> memref<40xi32, #tpu.memory_space<vmem>>
      %dma_wait3A_168 = arith.constant 0 : i32
      %dma_wait3A_169 = arith.constant 0 : i32
      %dma_wait3A_170 = tpu.memref_slice %arg2[%dma_wait3A_168, %dma_wait3A_169] : memref<30522x768xf32, #tpu.memory_space<hbm>> -> memref<30522x768xf32, #tpu.memory_space<hbm>>
      tpu.wait_indirect_dma semaphore(%arg12 : memref<!tpu.dma_semaphore, #tpu.memory_space<semaphore_mem>>) src(%dma_wait3A_170 : memref<30522x768xf32, #tpu.memory_space<hbm>>) dst(%arg8 : memref<40x768xf32, #tpu.memory_space<vmem>>)
      %add3A_171 = arith.constant 2 : i32
      %add3A_172 = arith.addi %add3A_89, %add3A_171 : i32
      %mul3A_173 = arith.constant 40 : i32
      %mul3A_174 = arith.muli %add3A_172, %mul3A_173 : i32
      %add3A_175 = arith.addi %mul3A_2, %mul3A_174 : i32
      %dma_start3A_176 = arith.constant 0 : i32
      %dma_start3A_177 = tpu.memref_slice %arg4[%add3A_175, %dma_start3A_176] : memref<204800x768xf32, #tpu.memory_space<hbm>> -> memref<40x768xf32, #tpu.memory_space<hbm>>
      %dma_start3A_178 = arith.constant 0 : i32
      %dma_start3A_179 = tpu.memref_slice %arg4[%add3A_175, %dma_start3A_178] : memref<204800x768xf32, #tpu.memory_space<hbm>> -> memref<40x768xf32, #tpu.memory_space<hbm>>
      tpu.enqueue_dma source(%arg8 : memref<40x768xf32, #tpu.memory_space<vmem>>) target(%dma_start3A_179 : memref<40x768xf32, #tpu.memory_space<hbm>>) target_semaphore(%arg16 : memref<!tpu.dma_semaphore, #tpu.memory_space<semaphore_mem>>)
      %dma_wait3A_180 = arith.constant 0 : i32
      %dma_wait3A_181 = tpu.memref_slice %arg5[%dma_wait3A_180] : memref<6400xi32, #tpu.memory_space<vmem>> -> memref<40xi32, #tpu.memory_space<vmem>>
      %dma_wait3A_182 = arith.constant 0 : i32
      %dma_wait3A_183 = arith.constant 0 : i32
      %dma_wait3A_184 = tpu.memref_slice %arg2[%dma_wait3A_182, %dma_wait3A_183] : memref<30522x768xf32, #tpu.memory_space<hbm>> -> memref<30522x768xf32, #tpu.memory_space<hbm>>
      tpu.wait_indirect_dma semaphore(%arg13 : memref<!tpu.dma_semaphore, #tpu.memory_space<semaphore_mem>>) src(%dma_wait3A_184 : memref<30522x768xf32, #tpu.memory_space<hbm>>) dst(%arg9 : memref<40x768xf32, #tpu.memory_space<vmem>>)
      %add3A_185 = arith.constant 3 : i32
      %add3A_186 = arith.addi %add3A_89, %add3A_185 : i32
      %mul3A_187 = arith.constant 40 : i32
      %mul3A_188 = arith.muli %add3A_186, %mul3A_187 : i32
      %add3A_189 = arith.addi %mul3A_2, %mul3A_188 : i32
      %dma_start3A_190 = arith.constant 0 : i32
      %dma_start3A_191 = tpu.memref_slice %arg4[%add3A_189, %dma_start3A_190] : memref<204800x768xf32, #tpu.memory_space<hbm>> -> memref<40x768xf32, #tpu.memory_space<hbm>>
      %dma_start3A_192 = arith.constant 0 : i32
      %dma_start3A_193 = tpu.memref_slice %arg4[%add3A_189, %dma_start3A_192] : memref<204800x768xf32, #tpu.memory_space<hbm>> -> memref<40x768xf32, #tpu.memory_space<hbm>>
      tpu.enqueue_dma source(%arg9 : memref<40x768xf32, #tpu.memory_space<vmem>>) target(%dma_start3A_193 : memref<40x768xf32, #tpu.memory_space<hbm>>) target_semaphore(%arg17 : memref<!tpu.dma_semaphore, #tpu.memory_space<semaphore_mem>>)
    }
    %scan3A_68 = arith.constant 39 : i32
    %dma_wait3A_69 = arith.constant 0 : i32
    %dma_wait3A_70 = tpu.memref_slice %arg4[%mul3A_2, %dma_wait3A_69] : memref<204800x768xf32, #tpu.memory_space<hbm>> -> memref<40x768xf32, #tpu.memory_space<hbm>>
    %dma_wait3A_71 = arith.constant 0 : i32
    %dma_wait3A_72 = tpu.memref_slice %arg4[%mul3A_2, %dma_wait3A_71] : memref<204800x768xf32, #tpu.memory_space<hbm>> -> memref<40x768xf32, #tpu.memory_space<hbm>>
    tpu.wait_dma2 semaphore(%arg14 : memref<!tpu.dma_semaphore, #tpu.memory_space<semaphore_mem>>) src(%arg6 : memref<40x768xf32, #tpu.memory_space<vmem>>) dst(%dma_wait3A_72 : memref<40x768xf32, #tpu.memory_space<hbm>>)
    %dma_wait3A_73 = arith.constant 0 : i32
    %dma_wait3A_74 = tpu.memref_slice %arg4[%mul3A_2, %dma_wait3A_73] : memref<204800x768xf32, #tpu.memory_space<hbm>> -> memref<40x768xf32, #tpu.memory_space<hbm>>
    %dma_wait3A_75 = arith.constant 0 : i32
    %dma_wait3A_76 = tpu.memref_slice %arg4[%mul3A_2, %dma_wait3A_75] : memref<204800x768xf32, #tpu.memory_space<hbm>> -> memref<40x768xf32, #tpu.memory_space<hbm>>
    tpu.wait_dma2 semaphore(%arg15 : memref<!tpu.dma_semaphore, #tpu.memory_space<semaphore_mem>>) src(%arg7 : memref<40x768xf32, #tpu.memory_space<vmem>>) dst(%dma_wait3A_76 : memref<40x768xf32, #tpu.memory_space<hbm>>)
    %dma_wait3A_77 = arith.constant 0 : i32
    %dma_wait3A_78 = tpu.memref_slice %arg4[%mul3A_2, %dma_wait3A_77] : memref<204800x768xf32, #tpu.memory_space<hbm>> -> memref<40x768xf32, #tpu.memory_space<hbm>>
    %dma_wait3A_79 = arith.constant 0 : i32
    %dma_wait3A_80 = tpu.memref_slice %arg4[%mul3A_2, %dma_wait3A_79] : memref<204800x768xf32, #tpu.memory_space<hbm>> -> memref<40x768xf32, #tpu.memory_space<hbm>>
    tpu.wait_dma2 semaphore(%arg16 : memref<!tpu.dma_semaphore, #tpu.memory_space<semaphore_mem>>) src(%arg8 : memref<40x768xf32, #tpu.memory_space<vmem>>) dst(%dma_wait3A_80 : memref<40x768xf32, #tpu.memory_space<hbm>>)
    %dma_wait3A_81 = arith.constant 0 : i32
    %dma_wait3A_82 = tpu.memref_slice %arg4[%mul3A_2, %dma_wait3A_81] : memref<204800x768xf32, #tpu.memory_space<hbm>> -> memref<40x768xf32, #tpu.memory_space<hbm>>
    %dma_wait3A_83 = arith.constant 0 : i32
    %dma_wait3A_84 = tpu.memref_slice %arg4[%mul3A_2, %dma_wait3A_83] : memref<204800x768xf32, #tpu.memory_space<hbm>> -> memref<40x768xf32, #tpu.memory_space<hbm>>
    tpu.wait_dma2 semaphore(%arg17 : memref<!tpu.dma_semaphore, #tpu.memory_space<semaphore_mem>>) src(%arg9 : memref<40x768xf32, #tpu.memory_space<vmem>>) dst(%dma_wait3A_84 : memref<40x768xf32, #tpu.memory_space<hbm>>)
    return
  }
}

</mosaic_0001>

<sc_bundles>
// kernel: kernel.3.cloned.1.call-start
scs
__scs_entry_jumppad:
0x0: {  	(pc) =	sbr.rel $0x88, $3  }
0x1: {  	(tag) =	ssettag $0x0;
	lr =	simm.s32 $0x1  }
0x2: {  	[smem:$0x3F9F] =	sst lr;
	_ =	strace $0xD0000000  }
0x3: {  	_ = 	snop  }
0x4: {  	_ = 	snop  }
0x5: {  	_ = 	snop  }
0x6: {  	_ = 	snop  }
0x7: {  	_ = 	snop  }
__scs_overlays_trampoline_lowered:
0x8: {  	[smem:$0x3FAE] =	sst s0  }
0x9: {  	[smem:$0x3FAF] =	sst s1  }
0xa: {  	[smem:$0x3FB0] =	sst s2  }
0xb: {  	[smem:$0x3FB1] =	sst s3  }
0xc: {  	[smem:$0x3FB2] =	sst s4  }
0xd: {  	[smem:$0x3FB3] =	sst s5  }
0xe: {  	[smem:$0x3FB4] =	sst s6  }
0xf: {  	[smem:$0x3FB5] =	sst s7  }
0x10: {  	[smem:$0x3FB6] =	sst s8  }
0x11: {  	[smem:$0x3FB7] =	sst s9;
	s0 =	simm.s32 @!p0 $0x0  }
0x12: {  	s1 =	sld [smem:$0x3F9D];
	s0 =	simm.s32 @p0 $0x1  }
0x13: {  	[smem:$0x3FB8] =	sst s0;
	s0 =	simm.s32 @!p1 $0x0  }
0x14: {  	s2 =	sld [smem:$0x3F9C];
	s0 =	simm.s32 @p1 $0x1  }
0x15: {  	[smem:$0x3FB9] =	sst s0;
	s0 =	simm.s32 @!p2 $0x0  }
0x16: {  	s3 =	sld [smem:$0x3FDB];
	s0 =	simm.s32 @p2 $0x1  }
0x17: {  	s4 =	simm.s32 $0x1BF5;
	[smem:$0x3FBB] =	sst s0  }
0x18: {  	s0 =	sld [smem:$0x3F9E];
	_ =	swait.ge [sflag:s4], $0x0  }
0x19: {  	s7 =	sld [smem:$0x3F9F]  }
0x1a: {  	s8 =	sadd.s32 $0xFFFFE003, lr  }
0x1b: {  	s9 =	sadd.s32 $0xFFFFFEF7, lr;
	s5 =	simm.s32 $0xFFFFFFFF;
	p2 =	slt.u32 s8, $0xFFFFF086  }
0x1c: {  	p1 =	slt.u32 s9, $0xF7A;
	s5 =	simm.s32 @!p2 $0x0  }
0x1d: {  	s5 =	simm.s32 @p1 $0x1;
	p0 =	seq.s32 s7, s2  }
0x1e: {  	s7 =	smul.u32 @!p0 $0xF7A, s2;
	p2 =	seq.s32 @!p0 s5, $0x0  }
0x1f: {  	s9 =	smul.u32 $0xF7A, s1;
	s8 =	simm.s32 @!p0 $0x1BF5;
	p2 =	por !p2, p0  }
0x20: {  	[sflag:s8] =	ssyncset.s32 @!p0 $0xFFFFF086;
	s6 =	sadd.s32 @!p0 s3, s7;
	s7 =	simm.s32 @!p0 $0x108  }
0x21: {  	s3 =	sadd.s32 s3, s9;
	s6 =	sadd.s32 @!p0 $0x88, s6;
	s7 =	simm.s32 @p2 $0x1082  }
0x22: {  	[simem:s7], [sflag:s8] =	dma.local @!p0 [hbm:s6], $0xF7A  }
0x23: {  	s9 =	sor.u32 $0xD0000000, s2;
	s6 =	simm.s32 $0x108;
	_ =	swait.ge @!p0 [sflag:s8], $0x0  }
0x24: {  	s3 =	sadd.s32 $0x88, s3;
	s6 =	simm.s32 @!p1 $0x1082;
	[sflag:s4] =	ssyncset.s32 $0xFFFFF086  }
0x25: {  	[simem:s6], [sflag:s4] =	dma.local [hbm:s3], $0xF7A  }
0x26: {  	[smem:$0x3F9F] =	sst s1;
	(tag) =	ssettag s2;
	_ =	strace s9  }
0x27: {  	s1 =	sld [smem:$0x3FAF]  }
0x28: {  	s2 =	sld [smem:$0x3FB0]  }
0x29: {  	s4 =	sld [smem:$0x3FB2]  }
0x2a: {  	p0 =	seq.s32 s5, $0x0;
	s5 =	sld [smem:$0x3FB3]  }
0x2b: {  	s6 =	sld [smem:$0x3FB4]  }
0x2c: {  	s7 =	sld [smem:$0x3FB5]  }
0x2d: {  	s3 =	simm.s32 $0x108;
	s8 =	sld [smem:$0x3FB6]  }
0x2e: {  	s3 =	simm.s32 @!p0 $0x1082;
	s9 =	sld [smem:$0x3FB7]  }
0x2f: {  	lr =	sadd.s32 s0, s3;
	s0 =	sld [smem:$0x3FAE]  }
0x30: {  	s3 =	sld [smem:$0x3FB1]  }
0x31: {  	[smem:$0x3FBA] =	sst s10  }
0x32: {  	s10 =	sld [smem:$0x3FB8];
	_ =	sdelay $0x3  }
0x33: {  	p0 =	seq.s32 s10, $0x1;
	s10 =	sld [smem:$0x3FBA];
	_ =	sdelay $0x3  }
0x34: {  	[smem:$0x3FBA] =	sst s10  }
0x35: {  	s10 =	sld [smem:$0x3FB9];
	_ =	sdelay $0x3  }
0x36: {  	p1 =	seq.s32 s10, $0x1;
	s10 =	sld [smem:$0x3FBA];
	_ =	sdelay $0x3  }
0x37: {  	[smem:$0x3FBA] =	sst s10  }
0x38: {  	s10 =	sld [smem:$0x3FBB]  }
0x39: {  	_ = 	snop;
	(pc) =	sbr.ind lr, $3  }
0x3a: {  	_ = 	snop  }
0x3b: {  	_ = 	snop  }
0x3c: {  	p2 =	seq.s32 s10, $0x1;
	s10 =	sld [smem:$0x3FBA]  }
0x3d: {  	_ =	shalt  }
0x3e: {  	_ =	shalt  }
0x3f: {  	_ =	shalt  }
0x40: {  	_ =	shalt  }
0x41: {  	_ =	shalt  }
0x42: {  	_ =	shalt  }
0x43: {  	_ =	shalt  }
0x44: {  	_ =	shalt  }
0x45: {  	_ =	shalt  }
0x46: {  	_ =	shalt  }
0x47: {  	_ =	shalt  }
0x48: {  	_ =	shalt  }
0x49: {  	_ =	shalt  }
0x4a: {  	_ =	shalt  }
0x4b: {  	_ =	shalt  }
0x4c: {  	_ =	shalt  }
0x4d: {  	_ =	shalt  }
0x4e: {  	_ =	shalt  }
0x4f: {  	_ =	shalt  }
0x50: {  	_ =	shalt  }
0x51: {  	_ =	shalt  }
0x52: {  	_ =	shalt  }
0x53: {  	_ =	shalt  }
0x54: {  	_ =	shalt  }
0x55: {  	_ =	shalt  }
0x56: {  	_ =	shalt  }
0x57: {  	_ =	shalt  }
0x58: {  	_ =	shalt  }
0x59: {  	_ =	shalt  }
0x5a: {  	_ =	shalt  }
0x5b: {  	_ =	shalt  }
0x5c: {  	_ =	shalt  }
0x5d: {  	_ =	shalt  }
0x5e: {  	_ =	shalt  }
0x5f: {  	_ =	shalt  }
0x60: {  	_ =	shalt  }
0x61: {  	_ =	shalt  }
0x62: {  	_ =	shalt  }
0x63: {  	_ =	shalt  }
0x64: {  	_ =	shalt  }
0x65: {  	_ =	shalt  }
0x66: {  	_ =	shalt  }
0x67: {  	_ =	shalt  }
0x68: {  	_ =	shalt  }
0x69: {  	_ =	shalt  }
0x6a: {  	_ =	shalt  }
0x6b: {  	_ =	shalt  }
0x6c: {  	_ =	shalt  }
0x6d: {  	_ =	shalt  }
0x6e: {  	_ =	shalt  }
0x6f: {  	_ =	shalt  }
0x70: {  	_ =	shalt  }
0x71: {  	_ =	shalt  }
0x72: {  	_ =	shalt  }
0x73: {  	_ =	shalt  }
0x74: {  	_ =	shalt  }
0x75: {  	_ =	shalt  }
0x76: {  	_ =	shalt  }
0x77: {  	_ =	shalt  }
0x78: {  	_ =	shalt  }
0x79: {  	_ =	shalt  }
0x7a: {  	_ =	shalt  }
0x7b: {  	_ =	shalt  }
0x7c: {  	_ =	shalt  }
0x7d: {  	_ =	shalt  }
0x7e: {  	_ =	shalt  }
0x7f: {  	_ =	shalt  }
0x80: {  	_ =	shalt  }
0x81: {  	_ =	shalt  }
0x82: {  	_ =	shalt  }
0x83: {  	_ =	shalt  }
0x84: {  	_ =	shalt  }
0x85: {  	_ =	shalt  }
0x86: {  	_ =	shalt  }
0x87: {  	_ =	shalt  }
.Lfunc_end0:
.L_simem_size_0:
called_computation_lowered:
.L_overlay_start_0:
0x88: {  	s2 =	sld [smem:$0x3FD9]  }
0x89: {  	s3 =	sld [smem:$0x3FFE];
	_ =	sdelay $0x1  }
0x8a: {  	s1 =	srdreg.scid  }
0x8b: {  	s0 =	sand.u32 $0x1, s1  }
0x8c: {  	s17 =	sshll.u32 s0, $0xA;
	s2 =	sadd.s32 s3, s2  }
0x8d: {  	s2 =	sadd.s32 s2, s17  }
0x8e: {  	[smem:$0x3FC6] =	sst s2  }
0x8f: {  	_ = 	snop  }
0x90: {  	s2 =	sld [smem:$0x3FC8]  }
0x91: {  	s18 =	sld [smem:$0x3FD0];
	(tm) =	ssettm $0x1  }
0x92: {  	s4 =	sld [smem:$0x3FFB];
	_ =	sdelay $0x3  }
0x93: {  	_ =	strace s4  }
0x94: {  	s4 =	sld [smem:$0x3FFC];
	_ =	sdelay $0x3  }
0x95: {  	_ =	strace s4  }
0x96: {  	s4 =	sld [smem:$0x3FFD];
	_ =	sdelay $0x3  }
0x97: {  	_ =	strace s4  }
0x98: {  	_ =	strace $0x8FFFFFFF  }
0x99: {  	s19 =	sld [smem:$0x3FDB];
	_ =	sdelay $0x1  }
0x9a: {  	s5 =	simm.s32 $_scs_section_size  }
0x9b: {  	s6 =	simm.s32 $_size__tile_overlayer_lowered;
	s7 =	simm.s32 $_tile_overlayer_lowered  }
0x9c: {  	s22 =	simm.s32 $0x1BFF;
	s21 =	sshll.u32 s7, $0x1;
	s4 =	sadd.s32 s5, s19  }
0x9d: {  	s8 =	simm.s32 $0x0;
	s20 =	sshll.u32 s6, $0x1;
	s6 =	sadd.s32 s21, s4  }
0x9e: {  	[timem:s8], [sflag:s22] =	dma.local [hbm:s6], s20  }
0x9f: {  	_ =	swait.ge [sflag:s22], s20  }
0xa0: {  	s5 =	ssub.s32 $0x0, s20;
	[sflag:s22] =	ssyncset.done $0x0  }
0xa1: {  	[sflag:s22] =	ssyncadd.s32 s5;
	_ =	sdelay $0x1  }
0xa2: {  	s23 =	simm.s32 $0x1B8B  }
0xa3: {  	_ =	swait.ge [sflag:s23], $0x1  }
0xa4: {  	[sflag:s23] =	ssyncset.done $0x0  }
0xa5: {  	s25 =	simm.s32 $0x1B8E;
	s24 =	sld [smem:$0x3FFE];
	[sflag:s23] =	ssyncadd.s32 $0xFFFFFFFF  }
0xa6: {  	s26 =	simm.s32 $execute0_lowered;
	[smem:$0x3FD2] =	sst s25  }
0xa7: {  	s6 =	sshll.u32 s26, $0x1;
	_ =	strace $0x80000046;
	[dreg:$0x1] =	wrdreg $0xFFFFFFFF  }
0xa8: {  	s28 =	simm.s32 $_size_execute0_lowered;
	s4 =	sadd.s32 s4, s6;
	[dreg:$0x0] =	wrdreg $0x0  }
0xa9: {  	s6 =	sshll.u32 s28, $0x1;
	[dreg:$0x2] =	wrdreg s4  }
0xaa: {  	[dreg:$0x3] =	wrdreg s6  }
0xab: {  	[dreg:$0x4] =	wrdreg $0xC0  }
0xac: {  	_ =	task [dreg:s8], $0x5FFFF  }
0xad: {  	[dreg:$0x1] =	wrdreg $0xFFFFFFFF  }
0xae: {  	[dreg:$0x0] =	wrdreg $0x60  }
0xaf: {  	[dreg:$0x2] =	wrdreg s2  }
0xb0: {  	[dreg:$0x3] =	wrdreg s24  }
0xb1: {  	[dreg:$0x4] =	wrdreg s18  }
0xb2: {  	[dreg:$0x5] =	wrdreg $0x9  }
0xb3: {  	_ =	task.clear_ibuf [dreg:s8], $0x6FFFF;
	_ =	strace $0x90000046  }
0xb4: {  	s29 =	simm.s32 $0x9;
	_ =	strace $0x80000048  }
0xb5: {  	_ =	swait.ge [sflag:s29], $0x1  }
0xb6: {  	[sflag:s29] =	ssyncadd.s32 $0xFFFFFFFF  }
0xb7: {  	_ =	strace $0x90000048  }
0xb8: {  	_ =	sfence  }
0xb9: {  	s30 =	sld [smem:$0x0];
	_ =	sdelay $0x2  }
0xba: {  	s31 =	sshll.u32 s1, $0xD;
	s1 =	sshrl.u32 s1, $0x2  }
0xbb: {  	s3 =	sand.u32 $0x4000, s31;
	s1 =	sadd.s32 s1, s30  }
0xbc: {  	s0 =	sor.u32 s3, s0;
	s1 =	sshll.u32 s1, $0x11  }
0xbd: {  	s0 =	sor.u32 s1, s0  }
0xbe: {  	s0 =	sadd.s32 $0x8F2B, s0  }
0xbf: {  	[sflag:s0] =	ssyncadd.remote.s32 $0x1  }
0xc0: {  	_ =	sfence.sel $0xFFFF  }
0xc1: {  	[dreg:$0x0] =	wrdreg $0xFFFFFFFF;
	(pc) =	sbr.abs _section_cstart, $3  }
0xc2: {  	[dreg:$0x1] =	wrdreg $0xFFFFFFFF  }
0xc3: {  	_ =	task.clear_ibuf [dreg:s8], $0x2FFFF;
	_ =	strace $0x9FFFFFFF  }
0xc4: {  	(tm) =	ssettm $0x7FFFFFFF  }
0xc5: {  	_ =	shalt  }
tec
execute0_lowered:
.L_overlay_start_1:
0x0: {  	(tag) =	ssettag $0x1  }
0x1: {  	s2 =	rddreg [dreg:$0x0]  }
0x2: {  	s0 =	srdreg.scid;
	s4 =	rddreg [dreg:$0x1]  }
0x3: {  	s9 =	stileid.u32;
	s7 =	rddreg [dreg:$0x2]  }
0x4: {  	s3 =	simm.s32 $0x0;
	s11 =	simm.s32 $0x4100;
	s12 =	simm.s32 $0x4900  }
0x5: {  	s14 =	simm.s32 $0x5100;
	s15 =	simm.s32 $0x5900;
	s16 =	simm.s32 $0x6100  }
0x6: {  	s18 =	simm.s32 $0x6900;
	s19 =	simm.s32 $0x7100;
	s20 =	simm.s32 $0x7900  }
0x7: {  	s13 =	simm.s32 $0x8900;
	s29 =	simm.s32 $0x9100;
	s17 =	simm.s32 $0x9900  }
0x8: {  	s28 =	simm.s32 $0x5;
	s30 =	simm.s32 $0x6;
	s31 =	simm.s32 $0x7  }
0x9: {  	s0 =	sand.u32 $0x1, s0;
	s1 =	sshll.u32 s9, $0x1;
	s9 =	smul.u32 $0x3200, s9  }
0xa: {  	s1 =	sor.u32 s0, s1;
	s5 =	ssub.s32 $0x2, s0;
	s0 =	smul.u32 $0x1900, s0  }
0xb: {  	[smem:$0x7FF] =	sst s3;
	s1 =	smul.u32 $0x1900, s1;
	s6 =	sshrl.u32 s5, $0x1  }
0xc: {  	_ =	strace $0x80000047;
	s10 =	ssub.s32 s5, s6;
	s5 =	sadd.s32 $0x100, s2  }
0xd: {  	s6 =	sadd.s32 $0x200, s2;
	s0 =	sadd.s32 s0, s9;
	s1 =	sshrl.u32 s1, $0x3  }
0xe: {  	s22 =	sadd.s32 $0x118, s0;
	s23 =	sor.u32 $0xA0, s0;
	s9 =	sor.u32 $0xC8, s0  }
0xf: {  	s0 =	sor.u32 $0xF0, s0;
	s26 =	smax.u32 s10, $0x1;
	s8 =	smul.u32 $0x300, s1  }
0x10: {  	s10 =	simm.s32 $0x3100;
	s4 =	sadd.s32 s1, s4;
	s1 =	smul.u32 $0x1800, s1  }
0x11: {  	s9 =	sshrl.u32 s9, $0x3;
	s0 =	sshrl.u32 s0, $0x3;
	[dreg:$0xd] =	wrdreg s26  }
0x12: {  	s26 =	simm.s32 $0x4;
	s4 =	sadd.s32 $0x400, s4;
	s9 =	smul.u32 $0x300, s9  }
0x13: {  	s0 =	smul.u32 $0x300, s0;
	[dreg:$0x8] =	wrdreg s4;
	s21 =	sadd.s32 s7, s8  }
0x14: {  	s1 =	sshrl.u32 s1, $0x3;
	s8 =	sadd.s32 $0xF00, s21;
	[dreg:$0x9] =	wrdreg s21  }
0x15: {  	s4 =	sadd.s32 $0x1E00, s21;
	s1 =	sadd.s32 s7, s1;
	s25 =	sadd.s32 s9, s7  }
0x16: {  	s0 =	sadd.s32 s0, s7;
	s9 =	simm.s32 $0x2100;
	[dreg:$0xa] =	wrdreg s8  }
0x17: {  	s21 =	simm.s32 $0x8100;
	[dreg:$0xb] =	wrdreg s4;
	s4 =	sshrl.u32 s22, $0x3  }
0x18: {  	s8 =	sshrl.u32 s23, $0x3;
	s1 =	sadd.s32 $0x2D00, s1;
	[dreg:$0x6] =	wrdreg s25  }
0x19: {  	[dreg:$0x7] =	wrdreg s0;
	s22 =	simm.s32 $0x1900;
	s4 =	smul.u32 $0x300, s4  }
0x1a: {  	s23 =	simm.s32 $0x1;
	s25 =	simm.s32 $0x3;
	s8 =	smul.u32 $0x300, s8  }
0x1b: {  	s0 =	simm.s32 $0x0;
	[dreg:$0xc] =	wrdreg s1;
	s1 =	simm.s32 $0x8  }
0x1c: {  	v2 =	vlaneseq.u32;
	[dreg:$0xe] =	wrdreg s0;
	s4 =	sadd.s32 s4, s7;
	s24 =	sadd.s32 s8, s7  }
0x1d: {  	vm0 =	vmmov $0xffff;
	v1 =	vshrl.u32 v2, $0x3;
	s8 =	simm.s32 $0x2900;
	s7 =	simm.s32 $0x3900;
	[dreg:$0x4] =	wrdreg s4  }
0x1e: {  	v0 =	vand.u32 $0x7, v2;
	v2 =	vor.u32 $0x8, v2;
	v1 =	vmul.u32 $0x8, v1;
	[dreg:$0x5] =	wrdreg s24;
	s4 =	simm.s32 $0x18100;
	s24 =	simm.s32 $0x2  }
.LBB2_1:
0x1f: {  	s0 =	rddreg [dreg:$0x8]  }
0x20: {  	[tilespmem:s3], [sflag:$0x9] =	stream.linear.gather [hbm4b:s0+s3], $0x1900, $0x38;
	[tilespmem:$0x1F900] =	vst v63  }
0x21: {  	s0 =	simm.s32 $0x9  }
0x22: {  	_ =	swait.ge [sflag:s0], $0x1900  }
0x23: {  	[sflag:s0] =	ssyncset.done $0x0  }
0x24: {  	[sflag:s0] =	ssyncadd.s32 $0xFFFFE700  }
0x25: {  	v3 =	vld [tilespmem:$0x0];
	_ =	sdelay $0x4  }
0x26: {  	v4 =	vshrl.u32 v3, $0x3  }
0x27: {  	v4 =	vmul.u32 $0x30, v4  }
0x28: {  	v3 =	vand.u32 $0x7, v3  }
0x29: {  	v3 =	vor.u32 v3, v4  }
0x2a: {  	v4 =	vperm.xlane v3, v0;
	_ =	sdelay $0x1  }
0x2b: {  	v4 =	vadd.s32 v1, v4;
	_ =	sdelay $0x3  }
0x2c: {  	v3 =	vperm.xlane v3, v2  }
0x2d: {  	[tilespmem:s22], [sflag:$0x1] =	stream.indirect_vreg.gather [hbm4b:s2+s3], $0x80, v4, vm0, $0xb8;
	[tilespmem:$0x1F900] =	vst v63  }
0x2e: {  	v3 =	vadd.s32 v1, v3  }
0x2f: {  	[tilespmem:s9], [sflag:$0x1] =	stream.indirect_vreg.gather [hbm4b:s5+s3], $0x80, v4, vm0, $0xb8;
	[tilespmem:$0x1F900] =	vst v63  }
0x30: {  	_ = 	snop  }
0x31: {  	[tilespmem:s8], [sflag:$0x1] =	stream.indirect_vreg.gather [hbm4b:s6+s3], $0x80, v4, vm0, $0xb8;
	[tilespmem:$0x1F900] =	vst v63  }
0x32: {  	_ = 	snop  }
0x33: {  	[tilespmem:s10], [sflag:$0x1] =	stream.indirect_vreg.gather [hbm4b:s2+s3], $0x80, v3, vm0, $0xb8;
	[tilespmem:$0x1F900] =	vst v63  }
0x34: {  	_ = 	snop  }
0x35: {  	[tilespmem:s7], [sflag:$0x1] =	stream.indirect_vreg.gather [hbm4b:s5+s3], $0x80, v3, vm0, $0xb8;
	[tilespmem:$0x1F900] =	vst v63  }
0x36: {  	_ = 	snop  }
0x37: {  	[tilespmem:s11], [sflag:$0x1] =	stream.indirect_vreg.gather [hbm4b:s6+s3], $0x80, v3, vm0, $0xb8;
	[tilespmem:$0x1F900] =	vst v63  }
0x38: {  	v3 =	vld [tilespmem:$0x10];
	_ =	sdelay $0x4  }
0x39: {  	v53 =	vshrl.u32 v3, $0x3  }
0x3a: {  	v4 =	vmul.u32 $0x30, v53  }
0x3b: {  	v3 =	vand.u32 $0x7, v3  }
0x3c: {  	v3 =	vor.u32 v3, v4  }
0x3d: {  	v4 =	vperm.xlane v3, v0;
	_ =	sdelay $0x1  }
0x3e: {  	v4 =	vadd.s32 v1, v4;
	_ =	sdelay $0x3  }
0x3f: {  	v3 =	vperm.xlane v3, v2  }
0x40: {  	[tilespmem:s12], [sflag:$0x1] =	stream.indirect_vreg.gather [hbm4b:s2+s3], $0x80, v4, vm0, $0xb8;
	[tilespmem:$0x1F900] =	vst v63  }
0x41: {  	v3 =	vadd.s32 v1, v3  }
0x42: {  	[tilespmem:s14], [sflag:$0x1] =	stream.indirect_vreg.gather [hbm4b:s5+s3], $0x80, v4, vm0, $0xb8;
	[tilespmem:$0x1F900] =	vst v63  }
0x43: {  	_ = 	snop  }
0x44: {  	[tilespmem:s15], [sflag:$0x1] =	stream.indirect_vreg.gather [hbm4b:s6+s3], $0x80, v4, vm0, $0xb8;
	[tilespmem:$0x1F900] =	vst v63  }
0x45: {  	_ = 	snop  }
0x46: {  	[tilespmem:s16], [sflag:$0x1] =	stream.indirect_vreg.gather [hbm4b:s2+s3], $0x80, v3, vm0, $0xb8;
	[tilespmem:$0x1F900] =	vst v63  }
0x47: {  	_ = 	snop  }
0x48: {  	[tilespmem:s18], [sflag:$0x1] =	stream.indirect_vreg.gather [hbm4b:s5+s3], $0x80, v3, vm0, $0xb8;
	[tilespmem:$0x1F900] =	vst v63  }
0x49: {  	_ = 	snop  }
0x4a: {  	[tilespmem:s19], [sflag:$0x1] =	stream.indirect_vreg.gather [hbm4b:s6+s3], $0x80, v3, vm0, $0xb8;
	[tilespmem:$0x1F900] =	vst v63  }
0x4b: {  	v3 =	vld.msk [tilespmem:$0x20], $0xff;
	_ =	sdelay $0x4  }
0x4c: {  	v54 =	vshrl.u32 v3, $0x3  }
0x4d: {  	v4 =	vmul.u32 $0x30, v54  }
0x4e: {  	v3 =	vand.u32 $0x7, v3  }
0x4f: {  	v3 =	vor.u32 v3, v4  }
0x50: {  	v3 =	vperm.xlane v3, v0;
	_ =	sdelay $0x1  }
0x51: {  	v3 =	vadd.s32 v1, v3;
	_ =	sdelay $0x4  }
0x52: {  	[tilespmem:s20], [sflag:$0x1] =	stream.indirect_vreg.gather [hbm4b:s2+s3], $0x80, v3, vm0, $0xb8;
	[tilespmem:$0x1F900] =	vst v63  }
0x53: {  	_ = 	snop  }
0x54: {  	[tilespmem:s21], [sflag:$0x1] =	stream.indirect_vreg.gather [hbm4b:s5+s3], $0x80, v3, vm0, $0xb8;
	[tilespmem:$0x1F900] =	vst v63  }
0x55: {  	_ = 	snop  }
0x56: {  	[tilespmem:s13], [sflag:$0x1] =	stream.indirect_vreg.gather [hbm4b:s6+s3], $0x80, v3, vm0, $0xb8;
	[tilespmem:$0x1F900] =	vst v63  }
0x57: {  	v3 =	vld [tilespmem:$0x28];
	_ =	sdelay $0x4  }
0x58: {  	v55 =	vshrl.u32 v3, $0x3  }
0x59: {  	v4 =	vmul.u32 $0x30, v55  }
0x5a: {  	v3 =	vand.u32 $0x7, v3  }
0x5b: {  	v3 =	vor.u32 v3, v4  }
0x5c: {  	v4 =	vperm.xlane v3, v0;
	_ =	sdelay $0x1  }
0x5d: {  	v4 =	vadd.s32 v1, v4;
	_ =	sdelay $0x3  }
0x5e: {  	v3 =	vperm.xlane v3, v2  }
0x5f: {  	[tilespmem:s29], [sflag:$0x2] =	stream.indirect_vreg.gather [hbm4b:s2+s3], $0x80, v4, vm0, $0xb8;
	[tilespmem:$0x1F900] =	vst v63  }
0x60: {  	v3 =	vadd.s32 v1, v3  }
0x61: {  	[tilespmem:s17], [sflag:$0x2] =	stream.indirect_vreg.gather [hbm4b:s5+s3], $0x80, v4, vm0, $0xb8;
	[tilespmem:$0x1F900] =	vst v63  }
0x62: {  	s18 =	simm.s32 $0xA100  }
0x63: {  	[tilespmem:s18], [sflag:$0x2] =	stream.indirect_vreg.gather [hbm4b:s6+s3], $0x80, v4, vm0, $0xb8;
	[tilespmem:$0x1F900] =	vst v63  }
0x64: {  	s19 =	simm.s32 $0xA900  }
0x65: {  	[tilespmem:s19], [sflag:$0x2] =	stream.indirect_vreg.gather [hbm4b:s2+s3], $0x80, v3, vm0, $0xb8;
	[tilespmem:$0x1F900] =	vst v63  }
0x66: {  	s20 =	simm.s32 $0xB100  }
0x67: {  	[tilespmem:s20], [sflag:$0x2] =	stream.indirect_vreg.gather [hbm4b:s5+s3], $0x80, v3, vm0, $0xb8;
	[tilespmem:$0x1F900] =	vst v63  }
0x68: {  	s21 =	simm.s32 $0xB900  }
0x69: {  	[tilespmem:s21], [sflag:$0x2] =	stream.indirect_vreg.gather [hbm4b:s6+s3], $0x80, v3, vm0, $0xb8;
	[tilespmem:$0x1F900] =	vst v63  }
0x6a: {  	v3 =	vld [tilespmem:$0x38];
	_ =	sdelay $0x4  }
0x6b: {  	v56 =	vshrl.u32 v3, $0x3  }
0x6c: {  	v4 =	vmul.u32 $0x30, v56  }
0x6d: {  	v3 =	vand.u32 $0x7, v3  }
0x6e: {  	v3 =	vor.u32 v3, v4  }
0x6f: {  	v4 =	vperm.xlane v3, v0;
	_ =	sdelay $0x1  }
0x70: {  	v4 =	vadd.s32 v1, v4;
	_ =	sdelay $0x3  }
0x71: {  	s7 =	simm.s32 $0xC100;
	v3 =	vperm.xlane v3, v2  }
0x72: {  	[tilespmem:s7], [sflag:$0x2] =	stream.indirect_vreg.gather [hbm4b:s2+s3], $0x80, v4, vm0, $0xb8;
	[tilespmem:$0x1F900] =	vst v63  }
0x73: {  	s8 =	simm.s32 $0xC900;
	v3 =	vadd.s32 v1, v3  }
0x74: {  	[tilespmem:s8], [sflag:$0x2] =	stream.indirect_vreg.gather [hbm4b:s5+s3], $0x80, v4, vm0, $0xb8;
	[tilespmem:$0x1F900] =	vst v63  }
0x75: {  	s10 =	simm.s32 $0xD100  }
0x76: {  	[tilespmem:s10], [sflag:$0x2] =	stream.indirect_vreg.gather [hbm4b:s6+s3], $0x80, v4, vm0, $0xb8;
	[tilespmem:$0x1F900] =	vst v63  }
0x77: {  	s11 =	simm.s32 $0xD900  }
0x78: {  	[tilespmem:s11], [sflag:$0x2] =	stream.indirect_vreg.gather [hbm4b:s2+s3], $0x80, v3, vm0, $0xb8;
	[tilespmem:$0x1F900] =	vst v63  }
0x79: {  	s12 =	simm.s32 $0xE100  }
0x7a: {  	[tilespmem:s12], [sflag:$0x2] =	stream.indirect_vreg.gather [hbm4b:s5+s3], $0x80, v3, vm0, $0xb8;
	[tilespmem:$0x1F900] =	vst v63  }
0x7b: {  	s13 =	simm.s32 $0xE900  }
0x7c: {  	[tilespmem:s13], [sflag:$0x2] =	stream.indirect_vreg.gather [hbm4b:s6+s3], $0x80, v3, vm0, $0xb8;
	[tilespmem:$0x1F900] =	vst v63  }
0x7d: {  	v3 =	vld.msk [tilespmem:$0x48], $0xff;
	_ =	sdelay $0x4  }
0x7e: {  	v57 =	vshrl.u32 v3, $0x3  }
0x7f: {  	v4 =	vmul.u32 $0x30, v57  }
0x80: {  	v3 =	vand.u32 $0x7, v3  }
0x81: {  	v3 =	vor.u32 v3, v4  }
0x82: {  	v3 =	vperm.xlane v3, v0;
	_ =	sdelay $0x1  }
0x83: {  	v3 =	vadd.s32 v1, v3;
	_ =	sdelay $0x3  }
0x84: {  	s14 =	simm.s32 $0xF100  }
0x85: {  	[tilespmem:s14], [sflag:$0x2] =	stream.indirect_vreg.gather [hbm4b:s2+s3], $0x80, v3, vm0, $0xb8;
	[tilespmem:$0x1F900] =	vst v63  }
0x86: {  	s15 =	simm.s32 $0xF900  }
0x87: {  	[tilespmem:s15], [sflag:$0x2] =	stream.indirect_vreg.gather [hbm4b:s5+s3], $0x80, v3, vm0, $0xb8;
	[tilespmem:$0x1F900] =	vst v63  }
0x88: {  	s16 =	simm.s32 $0x10100  }
0x89: {  	[tilespmem:s16], [sflag:$0x2] =	stream.indirect_vreg.gather [hbm4b:s6+s3], $0x80, v3, vm0, $0xb8;
	[tilespmem:$0x1F900] =	vst v63  }
0x8a: {  	v3 =	vld [tilespmem:$0x50];
	_ =	sdelay $0x4  }
0x8b: {  	v58 =	vshrl.u32 v3, $0x3  }
0x8c: {  	v4 =	vmul.u32 $0x30, v58  }
0x8d: {  	v3 =	vand.u32 $0x7, v3  }
0x8e: {  	v3 =	vor.u32 v3, v4  }
0x8f: {  	v4 =	vperm.xlane v3, v0;
	_ =	sdelay $0x1  }
0x90: {  	v4 =	vadd.s32 v1, v4;
	_ =	sdelay $0x3  }
0x91: {  	s7 =	simm.s32 $0x10900;
	v3 =	vperm.xlane v3, v2  }
0x92: {  	[tilespmem:s7], [sflag:$0x3] =	stream.indirect_vreg.gather [hbm4b:s2+s3], $0x80, v4, vm0, $0xb8;
	[tilespmem:$0x1F900] =	vst v63  }
0x93: {  	s17 =	simm.s32 $0x11100;
	v3 =	vadd.s32 v1, v3  }
0x94: {  	[tilespmem:s17], [sflag:$0x3] =	stream.indirect_vreg.gather [hbm4b:s5+s3], $0x80, v4, vm0, $0xb8;
	[tilespmem:$0x1F900] =	vst v63  }
0x95: {  	s18 =	simm.s32 $0x11900  }
0x96: {  	[tilespmem:s18], [sflag:$0x3] =	stream.indirect_vreg.gather [hbm4b:s6+s3], $0x80, v4, vm0, $0xb8;
	[tilespmem:$0x1F900] =	vst v63  }
0x97: {  	s19 =	simm.s32 $0x12100  }
0x98: {  	[tilespmem:s19], [sflag:$0x3] =	stream.indirect_vreg.gather [hbm4b:s2+s3], $0x80, v3, vm0, $0xb8;
	[tilespmem:$0x1F900] =	vst v63  }
0x99: {  	s20 =	simm.s32 $0x12900  }
0x9a: {  	[tilespmem:s20], [sflag:$0x3] =	stream.indirect_vreg.gather [hbm4b:s5+s3], $0x80, v3, vm0, $0xb8;
	[tilespmem:$0x1F900] =	vst v63  }
0x9b: {  	s21 =	simm.s32 $0x13100  }
0x9c: {  	[tilespmem:s21], [sflag:$0x3] =	stream.indirect_vreg.gather [hbm4b:s6+s3], $0x80, v3, vm0, $0xb8;
	[tilespmem:$0x1F900] =	vst v63  }
0x9d: {  	v3 =	vld [tilespmem:$0x60];
	_ =	sdelay $0x4  }
0x9e: {  	v59 =	vshrl.u32 v3, $0x3  }
0x9f: {  	v4 =	vmul.u32 $0x30, v59  }
0xa0: {  	v3 =	vand.u32 $0x7, v3  }
0xa1: {  	v3 =	vor.u32 v3, v4  }
0xa2: {  	v4 =	vperm.xlane v3, v0;
	_ =	sdelay $0x1  }
0xa3: {  	v4 =	vadd.s32 v1, v4;
	_ =	sdelay $0x3  }
0xa4: {  	s8 =	simm.s32 $0x13900;
	v3 =	vperm.xlane v3, v2  }
0xa5: {  	[tilespmem:s8], [sflag:$0x3] =	stream.indirect_vreg.gather [hbm4b:s2+s3], $0x80, v4, vm0, $0xb8;
	[tilespmem:$0x1F900] =	vst v63  }
0xa6: {  	s10 =	simm.s32 $0x14100;
	v3 =	vadd.s32 v1, v3  }
0xa7: {  	[tilespmem:s10], [sflag:$0x3] =	stream.indirect_vreg.gather [hbm4b:s5+s3], $0x80, v4, vm0, $0xb8;
	[tilespmem:$0x1F900] =	vst v63  }
0xa8: {  	s11 =	simm.s32 $0x14900  }
0xa9: {  	[tilespmem:s11], [sflag:$0x3] =	stream.indirect_vreg.gather [hbm4b:s6+s3], $0x80, v4, vm0, $0xb8;
	[tilespmem:$0x1F900] =	vst v63  }
0xaa: {  	s12 =	simm.s32 $0x15100  }
0xab: {  	[tilespmem:s12], [sflag:$0x3] =	stream.indirect_vreg.gather [hbm4b:s2+s3], $0x80, v3, vm0, $0xb8;
	[tilespmem:$0x1F900] =	vst v63  }
0xac: {  	s13 =	simm.s32 $0x15900  }
0xad: {  	[tilespmem:s13], [sflag:$0x3] =	stream.indirect_vreg.gather [hbm4b:s5+s3], $0x80, v3, vm0, $0xb8;
	[tilespmem:$0x1F900] =	vst v63  }
0xae: {  	s14 =	simm.s32 $0x16100  }
0xaf: {  	[tilespmem:s14], [sflag:$0x3] =	stream.indirect_vreg.gather [hbm4b:s6+s3], $0x80, v3, vm0, $0xb8;
	[tilespmem:$0x1F900] =	vst v63  }
0xb0: {  	v3 =	vld.msk [tilespmem:$0x70], $0xff;
	_ =	sdelay $0x4  }
0xb1: {  	v60 =	vshrl.u32 v3, $0x3  }
0xb2: {  	v4 =	vmul.u32 $0x30, v60  }
0xb3: {  	v3 =	vand.u32 $0x7, v3  }
0xb4: {  	v3 =	vor.u32 v3, v4  }
0xb5: {  	v3 =	vperm.xlane v3, v0;
	_ =	sdelay $0x1  }
0xb6: {  	v3 =	vadd.s32 v1, v3;
	_ =	sdelay $0x3  }
0xb7: {  	s15 =	simm.s32 $0x16900  }
0xb8: {  	[tilespmem:s15], [sflag:$0x3] =	stream.indirect_vreg.gather [hbm4b:s2+s3], $0x80, v3, vm0, $0xb8;
	[tilespmem:$0x1F900] =	vst v63  }
0xb9: {  	s16 =	simm.s32 $0x17100  }
0xba: {  	[tilespmem:s16], [sflag:$0x3] =	stream.indirect_vreg.gather [hbm4b:s5+s3], $0x80, v3, vm0, $0xb8;
	[tilespmem:$0x1F900] =	vst v63  }
0xbb: {  	s17 =	simm.s32 $0x17900  }
0xbc: {  	[tilespmem:s17], [sflag:$0x3] =	stream.indirect_vreg.gather [hbm4b:s6+s3], $0x80, v3, vm0, $0xb8;
	[tilespmem:$0x1F900] =	vst v63  }
0xbd: {  	v3 =	vld [tilespmem:$0x78];
	_ =	sdelay $0x4  }
0xbe: {  	v61 =	vshrl.u32 v3, $0x3  }
0xbf: {  	v4 =	vmul.u32 $0x30, v61  }
0xc0: {  	v3 =	vand.u32 $0x7, v3  }
0xc1: {  	v3 =	vor.u32 v3, v4  }
0xc2: {  	v4 =	vperm.xlane v3, v0;
	_ =	sdelay $0x1  }
0xc3: {  	v4 =	vadd.s32 v1, v4;
	_ =	sdelay $0x3  }
0xc4: {  	v3 =	vperm.xlane v3, v2  }
0xc5: {  	[tilespmem:s4], [sflag:$0x4] =	stream.indirect_vreg.gather [hbm4b:s2+s3], $0x80, v4, vm0, $0xb8;
	[tilespmem:$0x1F900] =	vst v63  }
0xc6: {  	s18 =	simm.s32 $0x18900;
	v3 =	vadd.s32 v1, v3  }
0xc7: {  	[tilespmem:s18], [sflag:$0x4] =	stream.indirect_vreg.gather [hbm4b:s5+s3], $0x80, v4, vm0, $0xb8;
	[tilespmem:$0x1F900] =	vst v63  }
0xc8: {  	s19 =	simm.s32 $0x19100  }
0xc9: {  	[tilespmem:s19], [sflag:$0x4] =	stream.indirect_vreg.gather [hbm4b:s6+s3], $0x80, v4, vm0, $0xb8;
	[tilespmem:$0x1F900] =	vst v63  }
0xca: {  	s20 =	simm.s32 $0x19900  }
0xcb: {  	[tilespmem:s20], [sflag:$0x4] =	stream.indirect_vreg.gather [hbm4b:s2+s3], $0x80, v3, vm0, $0xb8;
	[tilespmem:$0x1F900] =	vst v63  }
0xcc: {  	s21 =	simm.s32 $0x1A100  }
0xcd: {  	[tilespmem:s21], [sflag:$0x4] =	stream.indirect_vreg.gather [hbm4b:s5+s3], $0x80, v3, vm0, $0xb8;
	[tilespmem:$0x1F900] =	vst v63  }
0xce: {  	s8 =	simm.s32 $0x1A900  }
0xcf: {  	[tilespmem:s8], [sflag:$0x4] =	stream.indirect_vreg.gather [hbm4b:s6+s3], $0x80, v3, vm0, $0xb8;
	[tilespmem:$0x1F900] =	vst v63  }
0xd0: {  	v3 =	vld [tilespmem:$0x88];
	_ =	sdelay $0x4  }
0xd1: {  	v62 =	vshrl.u32 v3, $0x3  }
0xd2: {  	v4 =	vmul.u32 $0x30, v62  }
0xd3: {  	v3 =	vand.u32 $0x7, v3  }
0xd4: {  	v3 =	vor.u32 v3, v4  }
0xd5: {  	v4 =	vperm.xlane v3, v0;
	_ =	sdelay $0x1  }
0xd6: {  	v4 =	vadd.s32 v1, v4;
	_ =	sdelay $0x3  }
0xd7: {  	s10 =	simm.s32 $0x1B100;
	v3 =	vperm.xlane v3, v2  }
0xd8: {  	[tilespmem:s10], [sflag:$0x4] =	stream.indirect_vreg.gather [hbm4b:s2+s3], $0x80, v4, vm0, $0xb8;
	[tilespmem:$0x1F900] =	vst v63  }
0xd9: {  	s11 =	simm.s32 $0x1B900;
	v3 =	vadd.s32 v1, v3  }
0xda: {  	[tilespmem:s11], [sflag:$0x4] =	stream.indirect_vreg.gather [hbm4b:s5+s3], $0x80, v4, vm0, $0xb8;
	[tilespmem:$0x1F900] =	vst v63  }
0xdb: {  	s12 =	simm.s32 $0x1C100  }
0xdc: {  	[tilespmem:s12], [sflag:$0x4] =	stream.indirect_vreg.gather [hbm4b:s6+s3], $0x80, v4, vm0, $0xb8;
	[tilespmem:$0x1F900] =	vst v63  }
0xdd: {  	s13 =	simm.s32 $0x1C900  }
0xde: {  	[tilespmem:s13], [sflag:$0x4] =	stream.indirect_vreg.gather [hbm4b:s2+s3], $0x80, v3, vm0, $0xb8;
	[tilespmem:$0x1F900] =	vst v63  }
0xdf: {  	s14 =	simm.s32 $0x1D100  }
0xe0: {  	[tilespmem:s14], [sflag:$0x4] =	stream.indirect_vreg.gather [hbm4b:s5+s3], $0x80, v3, vm0, $0xb8;
	[tilespmem:$0x1F900] =	vst v63  }
0xe1: {  	s15 =	simm.s32 $0x1D900  }
0xe2: {  	[tilespmem:s15], [sflag:$0x4] =	stream.indirect_vreg.gather [hbm4b:s6+s3], $0x80, v3, vm0, $0xb8;
	[tilespmem:$0x1F900] =	vst v63  }
0xe3: {  	v3 =	vld.msk [tilespmem:$0x98], $0xff;
	_ =	sdelay $0x4  }
0xe4: {  	v63 =	vshrl.u32 v3, $0x3  }
0xe5: {  	v4 =	vmul.u32 $0x30, v63  }
0xe6: {  	v3 =	vand.u32 $0x7, v3  }
0xe7: {  	v3 =	vor.u32 v3, v4  }
0xe8: {  	v3 =	vperm.xlane v3, v0;
	_ =	sdelay $0x1  }
0xe9: {  	v3 =	vadd.s32 v1, v3;
	_ =	sdelay $0x3  }
0xea: {  	s16 =	simm.s32 $0x1E100  }
0xeb: {  	[tilespmem:s16], [sflag:$0x4] =	stream.indirect_vreg.gather [hbm4b:s2+s3], $0x80, v3, vm0, $0xb8;
	[tilespmem:$0x1F900] =	vst v63  }
0xec: {  	s17 =	simm.s32 $0x1E900  }
0xed: {  	[tilespmem:s17], [sflag:$0x4] =	stream.indirect_vreg.gather [hbm4b:s5+s3], $0x80, v3, vm0, $0xb8;
	[tilespmem:$0x1F900] =	vst v63  }
0xee: {  	s18 =	simm.s32 $0x1F100  }
0xef: {  	[tilespmem:s18], [sflag:$0x4] =	stream.indirect_vreg.gather [hbm4b:s6+s3], $0x80, v3, vm0, $0xb8;
	[tilespmem:$0x1F900] =	vst v63  }
0xf0: {  	_ =	swait.ge [sflag:s23], $0x7800  }
0xf1: {  	[sflag:s23] =	ssyncset.done $0x0  }
0xf2: {  	s19 =	rddreg [dreg:$0x9];
	[sflag:s23] =	ssyncadd.s32 $0xFFFF8800  }
0xf3: {  	[hbm4b:s19+s3] =	stream.linear.scatter [tilespmem:s22], [sflag:$0x5], $0x7800, $0x38;
	[tilespmem:$0x1F900] =	vst v63  }
0xf4: {  	_ =	swait.ge [sflag:s24], $0x7800  }
0xf5: {  	s0 =	simm.s32 $0x138;
	s8 =	simm.s32 $0x0;
	[sflag:s24] =	ssyncset.done $0x0  }
0xf6: {  	s10 =	simm.s32 $0x2900;
	s20 =	rddreg [dreg:$0xa];
	[sflag:s24] =	ssyncadd.s32 $0xFFFF8800  }
0xf7: {  	[hbm4b:s20+s3] =	stream.linear.scatter [tilespmem:s29], [sflag:$0x6], $0x7800, $0x38;
	[tilespmem:$0x1F900] =	vst v63  }
0xf8: {  	s11 =	simm.s32 $0x9900;
	s12 =	simm.s32 $0x4100;
	_ =	swait.ge [sflag:s25], $0x7800  }
0xf9: {  	s13 =	simm.s32 $0x8900;
	s14 =	simm.s32 $0x4900;
	[sflag:s25] =	ssyncset.done $0x0  }
0xfa: {  	s15 =	simm.s32 $0x5100;
	s21 =	rddreg [dreg:$0xb];
	[sflag:s25] =	ssyncadd.s32 $0xFFFF8800  }
0xfb: {  	[hbm4b:s21+s3] =	stream.linear.scatter [tilespmem:s7], [sflag:$0x7], $0x7800, $0x38;
	[tilespmem:$0x1F900] =	vst v63  }
0xfc: {  	s16 =	simm.s32 $0x5900;
	s17 =	simm.s32 $0x9100;
	_ =	swait.ge [sflag:s26], $0x7800  }
0xfd: {  	s18 =	simm.s32 $0x6100;
	s19 =	simm.s32 $0x6900;
	[sflag:s26] =	ssyncset.done $0x0  }
0xfe: {  	s29 =	simm.s32 $0x1900;
	s22 =	rddreg [dreg:$0xc];
	[sflag:s26] =	ssyncadd.s32 $0xFFFF8800  }
0xff: {  	[hbm4b:s22+s3] =	stream.linear.scatter [tilespmem:s4], [sflag:$0x8], $0x7800, $0x38;
	[tilespmem:$0x1F900] =	vst v63  }
0x100: {  	s20 =	simm.s32 $0x7100;
	s21 =	simm.s32 $0x7900;
	s22 =	simm.s32 $0x8100  }
.LBB2_2:
0x101: {  	_ =	swait.ge [sflag:s28], $0x7800  }
0x102: {  	[sflag:s28] =	ssyncset.done $0x0  }
0x103: {  	[sflag:s28] =	ssyncadd.s32 $0xFFFF8800  }
0x104: {  	v3 =	vld [tilespmem:s0+$0xFFFFFF68];
	_ =	sdelay $0x4  }
0x105: {  	v4 =	vshrl.u32 v3, $0x3  }
0x106: {  	v4 =	vmul.u32 $0x30, v4  }
0x107: {  	v3 =	vand.u32 $0x7, v3  }
0x108: {  	v3 =	vor.u32 v3, v4  }
0x109: {  	v4 =	vperm.xlane v3, v0;
	_ =	sdelay $0x1  }
0x10a: {  	v4 =	vadd.s32 v1, v4;
	_ =	sdelay $0x3  }
0x10b: {  	v3 =	vperm.xlane v3, v2  }
0x10c: {  	[tilespmem:s29], [sflag:$0x1] =	stream.indirect_vreg.gather [hbm4b:s2+s3], $0x80, v4, vm0, $0xb8;
	[tilespmem:$0x1F900] =	vst v63  }
0x10d: {  	v3 =	vadd.s32 v1, v3  }
0x10e: {  	[tilespmem:s9], [sflag:$0x1] =	stream.indirect_vreg.gather [hbm4b:s5+s3], $0x80, v4, vm0, $0xb8;
	[tilespmem:$0x1F900] =	vst v63  }
0x10f: {  	_ = 	snop  }
0x110: {  	[tilespmem:s10], [sflag:$0x1] =	stream.indirect_vreg.gather [hbm4b:s6+s3], $0x80, v4, vm0, $0xb8;
	[tilespmem:$0x1F900] =	vst v63  }
0x111: {  	s9 =	simm.s32 $0x3100  }
0x112: {  	[tilespmem:s9], [sflag:$0x1] =	stream.indirect_vreg.gather [hbm4b:s2+s3], $0x80, v3, vm0, $0xb8;
	[tilespmem:$0x1F900] =	vst v63  }
0x113: {  	s9 =	simm.s32 $0x3900  }
0x114: {  	[tilespmem:s9], [sflag:$0x1] =	stream.indirect_vreg.gather [hbm4b:s5+s3], $0x80, v3, vm0, $0xb8;
	[tilespmem:$0x1F900] =	vst v63  }
0x115: {  	_ = 	snop  }
0x116: {  	[tilespmem:s12], [sflag:$0x1] =	stream.indirect_vreg.gather [hbm4b:s6+s3], $0x80, v3, vm0, $0xb8;
	[tilespmem:$0x1F900] =	vst v63  }
0x117: {  	v3 =	vld [tilespmem:s0+$0xFFFFFF78];
	_ =	sdelay $0x4  }
0x118: {  	v53 =	vshrl.u32 v3, $0x3  }
0x119: {  	v4 =	vmul.u32 $0x30, v53  }
0x11a: {  	v3 =	vand.u32 $0x7, v3  }
0x11b: {  	v3 =	vor.u32 v3, v4  }
0x11c: {  	v4 =	vperm.xlane v3, v0;
	_ =	sdelay $0x1  }
0x11d: {  	v4 =	vadd.s32 v1, v4;
	_ =	sdelay $0x3  }
0x11e: {  	v3 =	vperm.xlane v3, v2  }
0x11f: {  	[tilespmem:s14], [sflag:$0x1] =	stream.indirect_vreg.gather [hbm4b:s2+s3], $0x80, v4, vm0, $0xb8;
	[tilespmem:$0x1F900] =	vst v63  }
0x120: {  	v3 =	vadd.s32 v1, v3  }
0x121: {  	[tilespmem:s15], [sflag:$0x1] =	stream.indirect_vreg.gather [hbm4b:s5+s3], $0x80, v4, vm0, $0xb8;
	[tilespmem:$0x1F900] =	vst v63  }
0x122: {  	_ = 	snop  }
0x123: {  	[tilespmem:s16], [sflag:$0x1] =	stream.indirect_vreg.gather [hbm4b:s6+s3], $0x80, v4, vm0, $0xb8;
	[tilespmem:$0x1F900] =	vst v63  }
0x124: {  	_ = 	snop  }
0x125: {  	[tilespmem:s18], [sflag:$0x1] =	stream.indirect_vreg.gather [hbm4b:s2+s3], $0x80, v3, vm0, $0xb8;
	[tilespmem:$0x1F900] =	vst v63  }
0x126: {  	_ = 	snop  }
0x127: {  	[tilespmem:s19], [sflag:$0x1] =	stream.indirect_vreg.gather [hbm4b:s5+s3], $0x80, v3, vm0, $0xb8;
	[tilespmem:$0x1F900] =	vst v63  }
0x128: {  	_ = 	snop  }
0x129: {  	[tilespmem:s20], [sflag:$0x1] =	stream.indirect_vreg.gather [hbm4b:s6+s3], $0x80, v3, vm0, $0xb8;
	[tilespmem:$0x1F900] =	vst v63  }
0x12a: {  	v3 =	vld.msk [tilespmem:s0+$0xFFFFFF88], $0xff;
	_ =	sdelay $0x4  }
0x12b: {  	v54 =	vshrl.u32 v3, $0x3  }
0x12c: {  	v4 =	vmul.u32 $0x30, v54  }
0x12d: {  	v3 =	vand.u32 $0x7, v3  }
0x12e: {  	v3 =	vor.u32 v3, v4  }
0x12f: {  	v3 =	vperm.xlane v3, v0;
	_ =	sdelay $0x1  }
0x130: {  	v3 =	vadd.s32 v1, v3;
	_ =	sdelay $0x4  }
0x131: {  	[tilespmem:s21], [sflag:$0x1] =	stream.indirect_vreg.gather [hbm4b:s2+s3], $0x80, v3, vm0, $0xb8;
	[tilespmem:$0x1F900] =	vst v63  }
0x132: {  	_ = 	snop  }
0x133: {  	[tilespmem:s22], [sflag:$0x1] =	stream.indirect_vreg.gather [hbm4b:s5+s3], $0x80, v3, vm0, $0xb8;
	[tilespmem:$0x1F900] =	vst v63  }
0x134: {  	_ = 	snop  }
0x135: {  	[tilespmem:s13], [sflag:$0x1] =	stream.indirect_vreg.gather [hbm4b:s6+s3], $0x80, v3, vm0, $0xb8;
	[tilespmem:$0x1F900] =	vst v63  }
0x136: {  	_ =	swait.ge [sflag:s30], $0x7800  }
0x137: {  	[sflag:s30] =	ssyncset.done $0x0  }
0x138: {  	[sflag:s30] =	ssyncadd.s32 $0xFFFF8800  }
0x139: {  	v3 =	vld [tilespmem:s0+$0xFFFFFF90];
	_ =	sdelay $0x4  }
0x13a: {  	v55 =	vshrl.u32 v3, $0x3  }
0x13b: {  	v4 =	vmul.u32 $0x30, v55  }
0x13c: {  	v3 =	vand.u32 $0x7, v3  }
0x13d: {  	v3 =	vor.u32 v3, v4  }
0x13e: {  	v4 =	vperm.xlane v3, v0;
	_ =	sdelay $0x1  }
0x13f: {  	v4 =	vadd.s32 v1, v4;
	_ =	sdelay $0x3  }
0x140: {  	v3 =	vperm.xlane v3, v2  }
0x141: {  	[tilespmem:s17], [sflag:$0x2] =	stream.indirect_vreg.gather [hbm4b:s2+s3], $0x80, v4, vm0, $0xb8;
	[tilespmem:$0x1F900] =	vst v63  }
0x142: {  	v3 =	vadd.s32 v1, v3  }
0x143: {  	[tilespmem:s11], [sflag:$0x2] =	stream.indirect_vreg.gather [hbm4b:s5+s3], $0x80, v4, vm0, $0xb8;
	[tilespmem:$0x1F900] =	vst v63  }
0x144: {  	s9 =	simm.s32 $0xA100  }
0x145: {  	[tilespmem:s9], [sflag:$0x2] =	stream.indirect_vreg.gather [hbm4b:s6+s3], $0x80, v4, vm0, $0xb8;
	[tilespmem:$0x1F900] =	vst v63  }
0x146: {  	s9 =	simm.s32 $0xA900  }
0x147: {  	[tilespmem:s9], [sflag:$0x2] =	stream.indirect_vreg.gather [hbm4b:s2+s3], $0x80, v3, vm0, $0xb8;
	[tilespmem:$0x1F900] =	vst v63  }
0x148: {  	s9 =	simm.s32 $0xB100  }
0x149: {  	[tilespmem:s9], [sflag:$0x2] =	stream.indirect_vreg.gather [hbm4b:s5+s3], $0x80, v3, vm0, $0xb8;
	[tilespmem:$0x1F900] =	vst v63  }
0x14a: {  	s9 =	simm.s32 $0xB900  }
0x14b: {  	[tilespmem:s9], [sflag:$0x2] =	stream.indirect_vreg.gather [hbm4b:s6+s3], $0x80, v3, vm0, $0xb8;
	[tilespmem:$0x1F900] =	vst v63  }
0x14c: {  	v3 =	vld [tilespmem:s0+$0xFFFFFFA0];
	_ =	sdelay $0x4  }
0x14d: {  	v56 =	vshrl.u32 v3, $0x3  }
0x14e: {  	v4 =	vmul.u32 $0x30, v56  }
0x14f: {  	v3 =	vand.u32 $0x7, v3  }
0x150: {  	v3 =	vor.u32 v3, v4  }
0x151: {  	v4 =	vperm.xlane v3, v0;
	_ =	sdelay $0x1  }
0x152: {  	v4 =	vadd.s32 v1, v4;
	_ =	sdelay $0x3  }
0x153: {  	s9 =	simm.s32 $0xC100;
	v3 =	vperm.xlane v3, v2  }
0x154: {  	[tilespmem:s9], [sflag:$0x2] =	stream.indirect_vreg.gather [hbm4b:s2+s3], $0x80, v4, vm0, $0xb8;
	[tilespmem:$0x1F900] =	vst v63  }
0x155: {  	v3 =	vadd.s32 v1, v3;
	s9 =	simm.s32 $0xC900  }
0x156: {  	[tilespmem:s9], [sflag:$0x2] =	stream.indirect_vreg.gather [hbm4b:s5+s3], $0x80, v4, vm0, $0xb8;
	[tilespmem:$0x1F900] =	vst v63  }
0x157: {  	s9 =	simm.s32 $0xD100  }
0x158: {  	[tilespmem:s9], [sflag:$0x2] =	stream.indirect_vreg.gather [hbm4b:s6+s3], $0x80, v4, vm0, $0xb8;
	[tilespmem:$0x1F900] =	vst v63  }
0x159: {  	s9 =	simm.s32 $0xD900  }
0x15a: {  	[tilespmem:s9], [sflag:$0x2] =	stream.indirect_vreg.gather [hbm4b:s2+s3], $0x80, v3, vm0, $0xb8;
	[tilespmem:$0x1F900] =	vst v63  }
0x15b: {  	s9 =	simm.s32 $0xE100  }
0x15c: {  	[tilespmem:s9], [sflag:$0x2] =	stream.indirect_vreg.gather [hbm4b:s5+s3], $0x80, v3, vm0, $0xb8;
	[tilespmem:$0x1F900] =	vst v63  }
0x15d: {  	s9 =	simm.s32 $0xE900  }
0x15e: {  	[tilespmem:s9], [sflag:$0x2] =	stream.indirect_vreg.gather [hbm4b:s6+s3], $0x80, v3, vm0, $0xb8;
	[tilespmem:$0x1F900] =	vst v63  }
0x15f: {  	v3 =	vld.msk [tilespmem:s0+$0xFFFFFFB0], $0xff;
	_ =	sdelay $0x4  }
0x160: {  	v57 =	vshrl.u32 v3, $0x3  }
0x161: {  	v4 =	vmul.u32 $0x30, v57  }
0x162: {  	v3 =	vand.u32 $0x7, v3  }
0x163: {  	v3 =	vor.u32 v3, v4  }
0x164: {  	v3 =	vperm.xlane v3, v0;
	_ =	sdelay $0x1  }
0x165: {  	v3 =	vadd.s32 v1, v3;
	_ =	sdelay $0x3  }
0x166: {  	s9 =	simm.s32 $0xF100  }
0x167: {  	[tilespmem:s9], [sflag:$0x2] =	stream.indirect_vreg.gather [hbm4b:s2+s3], $0x80, v3, vm0, $0xb8;
	[tilespmem:$0x1F900] =	vst v63  }
0x168: {  	s9 =	simm.s32 $0xF900  }
0x169: {  	[tilespmem:s9], [sflag:$0x2] =	stream.indirect_vreg.gather [hbm4b:s5+s3], $0x80, v3, vm0, $0xb8;
	[tilespmem:$0x1F900] =	vst v63  }
0x16a: {  	s9 =	simm.s32 $0x10100  }
0x16b: {  	[tilespmem:s9], [sflag:$0x2] =	stream.indirect_vreg.gather [hbm4b:s6+s3], $0x80, v3, vm0, $0xb8;
	[tilespmem:$0x1F900] =	vst v63  }
0x16c: {  	_ =	swait.ge [sflag:s31], $0x7800  }
0x16d: {  	[sflag:s31] =	ssyncset.done $0x0  }
0x16e: {  	[sflag:s31] =	ssyncadd.s32 $0xFFFF8800  }
0x16f: {  	v3 =	vld [tilespmem:s0+$0xFFFFFFB8];
	_ =	sdelay $0x4  }
0x170: {  	v58 =	vshrl.u32 v3, $0x3  }
0x171: {  	v4 =	vmul.u32 $0x30, v58  }
0x172: {  	v3 =	vand.u32 $0x7, v3  }
0x173: {  	v3 =	vor.u32 v3, v4  }
0x174: {  	v4 =	vperm.xlane v3, v0;
	_ =	sdelay $0x1  }
0x175: {  	v4 =	vadd.s32 v1, v4;
	_ =	sdelay $0x3  }
0x176: {  	v3 =	vperm.xlane v3, v2  }
0x177: {  	[tilespmem:s7], [sflag:$0x3] =	stream.indirect_vreg.gather [hbm4b:s2+s3], $0x80, v4, vm0, $0xb8;
	[tilespmem:$0x1F900] =	vst v63  }
0x178: {  	s9 =	simm.s32 $0x11100;
	v3 =	vadd.s32 v1, v3  }
0x179: {  	[tilespmem:s9], [sflag:$0x3] =	stream.indirect_vreg.gather [hbm4b:s5+s3], $0x80, v4, vm0, $0xb8;
	[tilespmem:$0x1F900] =	vst v63  }
0x17a: {  	s9 =	simm.s32 $0x11900  }
0x17b: {  	[tilespmem:s9], [sflag:$0x3] =	stream.indirect_vreg.gather [hbm4b:s6+s3], $0x80, v4, vm0, $0xb8;
	[tilespmem:$0x1F900] =	vst v63  }
0x17c: {  	s9 =	simm.s32 $0x12100  }
0x17d: {  	[tilespmem:s9], [sflag:$0x3] =	stream.indirect_vreg.gather [hbm4b:s2+s3], $0x80, v3, vm0, $0xb8;
	[tilespmem:$0x1F900] =	vst v63  }
0x17e: {  	s9 =	simm.s32 $0x12900  }
0x17f: {  	[tilespmem:s9], [sflag:$0x3] =	stream.indirect_vreg.gather [hbm4b:s5+s3], $0x80, v3, vm0, $0xb8;
	[tilespmem:$0x1F900] =	vst v63  }
0x180: {  	s9 =	simm.s32 $0x13100  }
0x181: {  	[tilespmem:s9], [sflag:$0x3] =	stream.indirect_vreg.gather [hbm4b:s6+s3], $0x80, v3, vm0, $0xb8;
	[tilespmem:$0x1F900] =	vst v63  }
0x182: {  	v3 =	vld [tilespmem:s0+$0xFFFFFFC8];
	_ =	sdelay $0x4  }
0x183: {  	v59 =	vshrl.u32 v3, $0x3  }
0x184: {  	v4 =	vmul.u32 $0x30, v59  }
0x185: {  	v3 =	vand.u32 $0x7, v3  }
0x186: {  	v3 =	vor.u32 v3, v4  }
0x187: {  	v4 =	vperm.xlane v3, v0;
	_ =	sdelay $0x1  }
0x188: {  	v4 =	vadd.s32 v1, v4;
	_ =	sdelay $0x3  }
0x189: {  	s9 =	simm.s32 $0x13900;
	v3 =	vperm.xlane v3, v2  }
0x18a: {  	[tilespmem:s9], [sflag:$0x3] =	stream.indirect_vreg.gather [hbm4b:s2+s3], $0x80, v4, vm0, $0xb8;
	[tilespmem:$0x1F900] =	vst v63  }
0x18b: {  	v3 =	vadd.s32 v1, v3;
	s9 =	simm.s32 $0x14100  }
0x18c: {  	[tilespmem:s9], [sflag:$0x3] =	stream.indirect_vreg.gather [hbm4b:s5+s3], $0x80, v4, vm0, $0xb8;
	[tilespmem:$0x1F900] =	vst v63  }
0x18d: {  	s9 =	simm.s32 $0x14900  }
0x18e: {  	[tilespmem:s9], [sflag:$0x3] =	stream.indirect_vreg.gather [hbm4b:s6+s3], $0x80, v4, vm0, $0xb8;
	[tilespmem:$0x1F900] =	vst v63  }
0x18f: {  	s9 =	simm.s32 $0x15100  }
0x190: {  	[tilespmem:s9], [sflag:$0x3] =	stream.indirect_vreg.gather [hbm4b:s2+s3], $0x80, v3, vm0, $0xb8;
	[tilespmem:$0x1F900] =	vst v63  }
0x191: {  	s9 =	simm.s32 $0x15900  }
0x192: {  	[tilespmem:s9], [sflag:$0x3] =	stream.indirect_vreg.gather [hbm4b:s5+s3], $0x80, v3, vm0, $0xb8;
	[tilespmem:$0x1F900] =	vst v63  }
0x193: {  	s9 =	simm.s32 $0x16100  }
0x194: {  	[tilespmem:s9], [sflag:$0x3] =	stream.indirect_vreg.gather [hbm4b:s6+s3], $0x80, v3, vm0, $0xb8;
	[tilespmem:$0x1F900] =	vst v63  }
0x195: {  	v3 =	vld.msk [tilespmem:s0+$0xFFFFFFD8], $0xff;
	_ =	sdelay $0x4  }
0x196: {  	v60 =	vshrl.u32 v3, $0x3  }
0x197: {  	v4 =	vmul.u32 $0x30, v60  }
0x198: {  	v3 =	vand.u32 $0x7, v3  }
0x199: {  	v3 =	vor.u32 v3, v4  }
0x19a: {  	v3 =	vperm.xlane v3, v0;
	_ =	sdelay $0x1  }
0x19b: {  	v3 =	vadd.s32 v1, v3;
	_ =	sdelay $0x3  }
0x19c: {  	s9 =	simm.s32 $0x16900  }
0x19d: {  	[tilespmem:s9], [sflag:$0x3] =	stream.indirect_vreg.gather [hbm4b:s2+s3], $0x80, v3, vm0, $0xb8;
	[tilespmem:$0x1F900] =	vst v63  }
0x19e: {  	s9 =	simm.s32 $0x17100  }
0x19f: {  	[tilespmem:s9], [sflag:$0x3] =	stream.indirect_vreg.gather [hbm4b:s5+s3], $0x80, v3, vm0, $0xb8;
	[tilespmem:$0x1F900] =	vst v63  }
0x1a0: {  	s9 =	simm.s32 $0x17900  }
0x1a1: {  	[tilespmem:s9], [sflag:$0x3] =	stream.indirect_vreg.gather [hbm4b:s6+s3], $0x80, v3, vm0, $0xb8;
	[tilespmem:$0x1F900] =	vst v63  }
0x1a2: {  	_ =	swait.ge [sflag:s1], $0x7800  }
0x1a3: {  	[sflag:s1] =	ssyncset.done $0x0  }
0x1a4: {  	[sflag:s1] =	ssyncadd.s32 $0xFFFF8800  }
0x1a5: {  	v3 =	vld [tilespmem:s0+$0xFFFFFFE0];
	_ =	sdelay $0x4  }
0x1a6: {  	v61 =	vshrl.u32 v3, $0x3  }
0x1a7: {  	v4 =	vmul.u32 $0x30, v61  }
0x1a8: {  	v3 =	vand.u32 $0x7, v3  }
0x1a9: {  	v3 =	vor.u32 v3, v4  }
0x1aa: {  	v4 =	vperm.xlane v3, v0;
	_ =	sdelay $0x1  }
0x1ab: {  	v4 =	vadd.s32 v1, v4;
	_ =	sdelay $0x3  }
0x1ac: {  	v3 =	vperm.xlane v3, v2  }
0x1ad: {  	[tilespmem:s4], [sflag:$0x4] =	stream.indirect_vreg.gather [hbm4b:s2+s3], $0x80, v4, vm0, $0xb8;
	[tilespmem:$0x1F900] =	vst v63  }
0x1ae: {  	s9 =	simm.s32 $0x18900;
	v3 =	vadd.s32 v1, v3  }
0x1af: {  	[tilespmem:s9], [sflag:$0x4] =	stream.indirect_vreg.gather [hbm4b:s5+s3], $0x80, v4, vm0, $0xb8;
	[tilespmem:$0x1F900] =	vst v63  }
0x1b0: {  	s9 =	simm.s32 $0x19100  }
0x1b1: {  	[tilespmem:s9], [sflag:$0x4] =	stream.indirect_vreg.gather [hbm4b:s6+s3], $0x80, v4, vm0, $0xb8;
	[tilespmem:$0x1F900] =	vst v63  }
0x1b2: {  	s9 =	simm.s32 $0x19900  }
0x1b3: {  	[tilespmem:s9], [sflag:$0x4] =	stream.indirect_vreg.gather [hbm4b:s2+s3], $0x80, v3, vm0, $0xb8;
	[tilespmem:$0x1F900] =	vst v63  }
0x1b4: {  	s9 =	simm.s32 $0x1A100  }
0x1b5: {  	[tilespmem:s9], [sflag:$0x4] =	stream.indirect_vreg.gather [hbm4b:s5+s3], $0x80, v3, vm0, $0xb8;
	[tilespmem:$0x1F900] =	vst v63  }
0x1b6: {  	s9 =	simm.s32 $0x1A900  }
0x1b7: {  	[tilespmem:s9], [sflag:$0x4] =	stream.indirect_vreg.gather [hbm4b:s6+s3], $0x80, v3, vm0, $0xb8;
	[tilespmem:$0x1F900] =	vst v63  }
0x1b8: {  	v3 =	vld [tilespmem:s0+$0xFFFFFFF0];
	_ =	sdelay $0x4  }
0x1b9: {  	v62 =	vshrl.u32 v3, $0x3  }
0x1ba: {  	v4 =	vmul.u32 $0x30, v62  }
0x1bb: {  	v3 =	vand.u32 $0x7, v3  }
0x1bc: {  	v3 =	vor.u32 v3, v4  }
0x1bd: {  	v4 =	vperm.xlane v3, v0;
	_ =	sdelay $0x1  }
0x1be: {  	v4 =	vadd.s32 v1, v4;
	_ =	sdelay $0x3  }
0x1bf: {  	s9 =	simm.s32 $0x1B100;
	v3 =	vperm.xlane v3, v2  }
0x1c0: {  	[tilespmem:s9], [sflag:$0x4] =	stream.indirect_vreg.gather [hbm4b:s2+s3], $0x80, v4, vm0, $0xb8;
	[tilespmem:$0x1F900] =	vst v63  }
0x1c1: {  	v3 =	vadd.s32 v1, v3;
	s9 =	simm.s32 $0x1B900  }
0x1c2: {  	[tilespmem:s9], [sflag:$0x4] =	stream.indirect_vreg.gather [hbm4b:s5+s3], $0x80, v4, vm0, $0xb8;
	[tilespmem:$0x1F900] =	vst v63  }
0x1c3: {  	s9 =	simm.s32 $0x1C100  }
0x1c4: {  	[tilespmem:s9], [sflag:$0x4] =	stream.indirect_vreg.gather [hbm4b:s6+s3], $0x80, v4, vm0, $0xb8;
	[tilespmem:$0x1F900] =	vst v63  }
0x1c5: {  	s9 =	simm.s32 $0x1C900  }
0x1c6: {  	[tilespmem:s9], [sflag:$0x4] =	stream.indirect_vreg.gather [hbm4b:s2+s3], $0x80, v3, vm0, $0xb8;
	[tilespmem:$0x1F900] =	vst v63  }
0x1c7: {  	s9 =	simm.s32 $0x1D100  }
0x1c8: {  	[tilespmem:s9], [sflag:$0x4] =	stream.indirect_vreg.gather [hbm4b:s5+s3], $0x80, v3, vm0, $0xb8;
	[tilespmem:$0x1F900] =	vst v63  }
0x1c9: {  	s9 =	simm.s32 $0x1D900  }
0x1ca: {  	[tilespmem:s9], [sflag:$0x4] =	stream.indirect_vreg.gather [hbm4b:s6+s3], $0x80, v3, vm0, $0xb8;
	[tilespmem:$0x1F900] =	vst v63  }
0x1cb: {  	v3 =	vld.msk [tilespmem:s0+$0x0], $0xff;
	_ =	sdelay $0x4  }
0x1cc: {  	v63 =	vshrl.u32 v3, $0x3  }
0x1cd: {  	v4 =	vmul.u32 $0x30, v63  }
0x1ce: {  	v3 =	vand.u32 $0x7, v3  }
0x1cf: {  	v3 =	vor.u32 v3, v4  }
0x1d0: {  	v3 =	vperm.xlane v3, v0;
	_ =	sdelay $0x1  }
0x1d1: {  	v3 =	vadd.s32 v1, v3;
	_ =	sdelay $0x3  }
0x1d2: {  	s9 =	simm.s32 $0x1E100  }
0x1d3: {  	[tilespmem:s9], [sflag:$0x4] =	stream.indirect_vreg.gather [hbm4b:s2+s3], $0x80, v3, vm0, $0xb8;
	[tilespmem:$0x1F900] =	vst v63  }
0x1d4: {  	s9 =	simm.s32 $0x1E900  }
0x1d5: {  	[tilespmem:s9], [sflag:$0x4] =	stream.indirect_vreg.gather [hbm4b:s5+s3], $0x80, v3, vm0, $0xb8;
	[tilespmem:$0x1F900] =	vst v63  }
0x1d6: {  	s9 =	simm.s32 $0x1F100  }
0x1d7: {  	[tilespmem:s9], [sflag:$0x4] =	stream.indirect_vreg.gather [hbm4b:s6+s3], $0x80, v3, vm0, $0xb8;
	[tilespmem:$0x1F900] =	vst v63  }
0x1d8: {  	_ =	swait.ge [sflag:s23], $0x7800  }
0x1d9: {  	s9 =	rddreg [dreg:$0x5];
	[sflag:s23] =	ssyncset.done $0x0  }
0x1da: {  	[sflag:s23] =	ssyncadd.s32 $0xFFFF8800;
	s9 =	sadd.s32 s8, s9  }
0x1db: {  	[hbm4b:s9+s3] =	stream.linear.scatter [tilespmem:s29], [sflag:$0x5], $0x7800, $0x38;
	[tilespmem:$0x1F900] =	vst v63  }
0x1dc: {  	_ =	swait.ge [sflag:s24], $0x7800  }
0x1dd: {  	s9 =	rddreg [dreg:$0x6];
	[sflag:s24] =	ssyncset.done $0x0  }
0x1de: {  	[sflag:s24] =	ssyncadd.s32 $0xFFFF8800;
	s9 =	sadd.s32 s8, s9  }
0x1df: {  	[hbm4b:s9+s3] =	stream.linear.scatter [tilespmem:s17], [sflag:$0x6], $0x7800, $0x38;
	[tilespmem:$0x1F900] =	vst v63  }
0x1e0: {  	_ =	swait.ge [sflag:s25], $0x7800  }
0x1e1: {  	s9 =	rddreg [dreg:$0x7];
	[sflag:s25] =	ssyncset.done $0x0  }
0x1e2: {  	p0 =	sne.s32 s8, $0x8E800;
	[sflag:s25] =	ssyncadd.s32 $0xFFFF8800;
	s9 =	sadd.s32 s8, s9  }
0x1e3: {  	[hbm4b:s9+s3] =	stream.linear.scatter [tilespmem:s7], [sflag:$0x7], $0x7800, $0x38;
	[tilespmem:$0x1F900] =	vst v63  }
.Ltmp0:
0x1e4: {  	_ =	swait.ge [sflag:s26], $0x7800;
	(pc) =	sbr.rel @p0 .LBB2_2-.Ltmp0, $4  }
0x1e5: {  	s9 =	rddreg [dreg:$0x4];
	[sflag:s26] =	ssyncset.done $0x0  }
0x1e6: {  	[sflag:s26] =	ssyncadd.s32 $0xFFFF8800;
	s9 =	sadd.s32 s8, s9  }
0x1e7: {  	[hbm4b:s9+s3] =	stream.linear.scatter [tilespmem:s4], [sflag:$0x8], $0x7800, $0x38;
	[tilespmem:$0x1F900] =	vst v63  }
0x1e8: {  	s0 =	sadd.s32 $0xA0, s0;
	s8 =	sadd.s32 $0x3C00, s8;
	s9 =	simm.s32 $0x2100  }
0x1e9: {  	_ =	swait.ge [sflag:s28], $0x7800  }
0x1ea: {  	[sflag:s28] =	ssyncset.done $0x0  }
0x1eb: {  	[sflag:s28] =	ssyncadd.s32 $0xFFFF8800  }
0x1ec: {  	_ =	swait.ge [sflag:s30], $0x7800  }
0x1ed: {  	[sflag:s30] =	ssyncset.done $0x0  }
0x1ee: {  	[sflag:s30] =	ssyncadd.s32 $0xFFFF8800  }
0x1ef: {  	_ =	swait.ge [sflag:s31], $0x7800  }
0x1f0: {  	[sflag:s31] =	ssyncset.done $0x0  }
0x1f1: {  	[sflag:s31] =	ssyncadd.s32 $0xFFFF8800  }
0x1f2: {  	_ =	swait.ge [sflag:s1], $0x7800  }
0x1f3: {  	s8 =	simm.s32 $0x2900;
	s10 =	simm.s32 $0x3100;
	s7 =	rddreg [dreg:$0xe]  }
0x1f4: {  	s11 =	simm.s32 $0x4100;
	s0 =	rddreg [dreg:$0xd];
	s7 =	sadd.s32 $0x1, s7  }
0x1f5: {  	s12 =	simm.s32 $0x4900;
	s14 =	simm.s32 $0x5100;
	p0 =	sne.s32 s7, s0  }
.Ltmp1:
0x1f6: {  	s15 =	simm.s32 $0x5900;
	s16 =	simm.s32 $0x6100;
	(pc) =	sbr.rel @p0 .LBB2_1-.Ltmp1, $4  }
0x1f7: {  	s18 =	simm.s32 $0x6900;
	s19 =	simm.s32 $0x7100;
	s20 =	simm.s32 $0x7900  }
0x1f8: {  	s21 =	simm.s32 $0x8100;
	s13 =	simm.s32 $0x8900;
	s22 =	simm.s32 $0x1900  }
0x1f9: {  	s29 =	simm.s32 $0x9100;
	s17 =	simm.s32 $0x9900;
	[sflag:s1] =	ssyncset.done $0x0  }
0x1fa: {  	[sflag:s1] =	ssyncadd.s32 $0xFFFF8800;
	[dreg:$0xe] =	wrdreg s7;
	s7 =	simm.s32 $0x3900  }
0x1fb: {  	_ =	sfence.sel $0x180000  }
0x1fc: {  	[bflag:$0x0] =	sbarrier.arrive $0xFFFF  }
0x1fd: {  	_ =	strace $0x90000047  }
0x1fe: {  	s0 =	stileid.u32;
	[bflag:$0x2] =	sbarrier.arrive $0xFFFF  }
0x1ff: {  	p0 =	sne.s32 s0, $0x0;
	s0 =	rddreg [dreg:$0x3]  }
0x200: {  	s0 =	sadd.s32 @!p0 $0x100000, s0  }
0x201: {  	[sflag:s0] =	ssyncadd.tile.s32 @!p0 $0x1;
	_ =	shalt  }
.Lfunc_end2:
_tile_overlayer_lowered:
.L_overlay_start_2:
0x202: {  	(tag) =	ssettag $0x2  }
0x203: {  	s0 =	rddreg [dreg:$0x0];
	s2 =	stileid.u32  }
0x204: {  	s1 =	rddreg [dreg:$0x1];
	p0 =	sne.s32 s2, $0x0  }
0x205: {  	s3 =	rddreg [dreg:$0x2];
	[bflag:$0x3] =	sbarrier.arrive $0xFFFF;
	s2 =	simm.s32 @!p0 $0x1C09  }
0x206: {  	[timem:s3], [sflag:s2] =	dma.local @!p0 [hbm:s0], s1  }
0x207: {  	s0 =	simm.s32 @!p0 $0x9  }
0x208: {  	_ =	swait.ge @!p0 [sflag:s0], s1  }
0x209: {  	s1 =	ssub.s32 @!p0 $0x0, s1;
	[sflag:s0] =	ssyncset.done @!p0 $0x0  }
0x20a: {  	[sflag:s0] =	ssyncadd.s32 @!p0 s1  }
0x20b: {  	[bflag:$0x3] =	sbarrier.arrive $0xFFFF  }
0x20c: {  	_ =	shalt  }

</sc_bundles>
